<compile_context>
chip_gen: v7x
topology: tpu7x:2x2x1
jax: 0.10.2.dev20260603
libtpu: 0.0.44.dev20260713+nightly
codegen_flags: <defaults>
</compile_context>

<pallas_src>
import functools

import jax
import jax.numpy as jnp
from jax import lax
from jax.experimental import pallas as pl
from jax.experimental.pallas import tpu as pltpu
from jax.experimental.pallas import tpu_sc as plsc

N = 10000
E = 320000
D = 128

NC = 2
NS = 16
NW = NC * NS
EPW = E // NW
C = 80
NCHUNK = EPW // C
RPT = N // NS
ZR = 125
CW = 8


def _sc_aggregate_body(x_hbm, src_hbm, dst_hbm, zrows_hbm, consts_hbm,
                       part_hbm, cntp_hbm,
                       src_v, dst_v, rows0, rows1,
                       ones_v,
                       acc_sh, cnt_sh,
                       sem0, sem1):
    cid = lax.axis_index("c")
    sid = lax.axis_index("s")
    wid = cid * NS + sid

    pltpu.sync_copy(src_hbm.at[wid], src_v)
    pltpu.sync_copy(dst_hbm.at[wid], dst_v)

    pltpu.sync_copy(consts_hbm.at[pl.ds(RPT, C)], ones_v)

    pltpu.sync_copy(zrows_hbm, acc_sh.at[pl.ds(sid * RPT, RPT)])
    pltpu.sync_copy(consts_hbm.at[pl.ds(0, RPT)],
                    cnt_sh.at[pl.ds(sid * RPT, RPT)])

    plsc.subcore_barrier()

    def gather(k, buf, sem):
        return pltpu.make_async_copy(x_hbm.at[src_v.at[k]], buf, sem)

    def scatter(k, buf):
        pltpu.sync_copy(buf, acc_sh.at[dst_v.at[k]], add=True)
        pltpu.sync_copy(ones_v, cnt_sh.at[dst_v.at[k]], add=True)

    gather(0, rows0, sem0).start()

    @pl.loop(0, NCHUNK // 2)
    def _chunks(k2):
        k = k2 * 2
        gather(k + 1, rows1, sem1).start()
        gather(k, rows0, sem0).wait()
        scatter(k, rows0)
        gather(k + 2, rows0, sem0).start()
        gather(k + 1, rows1, sem1).wait()
        scatter(k + 1, rows1)

    gather(NCHUNK - 1, rows0, sem0).wait()
    scatter(NCHUNK - 1, rows0)

    plsc.subcore_barrier()

    row0 = sid * RPT
    pltpu.sync_copy(acc_sh.at[pl.ds(row0, RPT)],
                    part_hbm.at[cid, pl.ds(row0, RPT)])
    pltpu.sync_copy(cnt_sh.at[pl.ds(row0, RPT)],
                    cntp_hbm.at[cid, pl.ds(row0, RPT)])


_sc_aggregate = pl.kernel(
    _sc_aggregate_body,
    out_type=(jax.ShapeDtypeStruct((NC, N, D), jnp.float32),
              jax.ShapeDtypeStruct((NC, N, CW), jnp.float32)),
    mesh=plsc.VectorSubcoreMesh(core_axis_name="c", subcore_axis_name="s"),
    scratch_types=[
        pltpu.VMEM((NCHUNK, C), jnp.int32),
        pltpu.VMEM((NCHUNK, C), jnp.int32),
        pltpu.VMEM((C, D), jnp.float32),
        pltpu.VMEM((C, D), jnp.float32),
        pltpu.VMEM((C, CW), jnp.float32),
        pltpu.VMEM_SHARED((N, D), jnp.float32),
        pltpu.VMEM_SHARED((N, CW), jnp.float32),
        pltpu.SemaphoreType.DMA,
        pltpu.SemaphoreType.DMA,
    ],
    compiler_params=pltpu.CompilerParams(use_tc_tiling_on_sc=False),
)


ROWS_PER_BLK = 1000


def _tc_fuse_body(part_ref, cnt_ref, x_ref, wl_ref, wr_ref, b_ref,
                  g_ref, beta_ref, o_ref):
    s = part_ref[0] + part_ref[1]
    c = cnt_ref[0, :, 0:1] + cnt_ref[1, :, 0:1]
    mean = s / jnp.maximum(c, 1.0)
    xb = x_ref[...]
    h = (jnp.dot(mean, wl_ref[...], preferred_element_type=jnp.float32,
                 precision=lax.Precision.HIGHEST)
         + jnp.dot(xb, wr_ref[...], preferred_element_type=jnp.float32,
                   precision=lax.Precision.HIGHEST)
         + b_ref[...] + xb)
    h = jnp.maximum(h, 0.0)
    mu = jnp.mean(h, axis=-1, keepdims=True)
    var = jnp.mean((h - mu) ** 2, axis=-1, keepdims=True)
    o_ref[...] = ((h - mu) * lax.rsqrt(var + 1e-5) * g_ref[...]
                  + beta_ref[...])


_tc_fuse = pl.pallas_call(
    _tc_fuse_body,
    grid=(N // ROWS_PER_BLK,),
    in_specs=[
        pl.BlockSpec((NC, ROWS_PER_BLK, D), lambda i: (0, i, 0)),
        pl.BlockSpec((NC, ROWS_PER_BLK, CW), lambda i: (0, i, 0)),
        pl.BlockSpec((ROWS_PER_BLK, D), lambda i: (i, 0)),
        pl.BlockSpec((D, D), lambda i: (0, 0)),
        pl.BlockSpec((D, D), lambda i: (0, 0)),
        pl.BlockSpec((1, D), lambda i: (0, 0)),
        pl.BlockSpec((1, D), lambda i: (0, 0)),
        pl.BlockSpec((1, D), lambda i: (0, 0)),
    ],
    out_specs=pl.BlockSpec((ROWS_PER_BLK, D), lambda i: (i, 0)),
    out_shape=jax.ShapeDtypeStruct((N, D), jnp.float32),
)


@functools.partial(jax.jit, static_argnames=())
def kernel(x, edge_index, W_l, b_l, W_r, ln_gamma, ln_beta):
    src = edge_index[0].reshape(NW, NCHUNK, C)
    dst = edge_index[1].reshape(NW, NCHUNK, C)
    zrows = jnp.zeros((RPT, D), jnp.float32)
    consts = jnp.concatenate([jnp.zeros((RPT, CW), jnp.float32),
                              jnp.ones((C, CW), jnp.float32)], axis=0)
    part, cntp = _sc_aggregate(x, src, dst, zrows, consts)
    return _tc_fuse(part, cntp, x, W_l.T, W_r.T,
                    b_l.reshape(1, D), ln_gamma.reshape(1, D),
                    ln_beta.reshape(1, D))

# --- scband reference (transcript-rebuilt; emitter-appended) ---
"""Pipeline reference for scband-advanced-gnnmodel-40802189312043 (READ-ONLY COPY).

The authoritative reference and input builder live on the scoring server;
editing this copy changes nothing except your own understanding.
"""

import jax, jax.numpy as jnp
import numpy as np

N = 10000
E = 320000
D = 128


def setup_inputs(seed: int = 0) -> dict:
    key = jax.random.key(seed)
    ks = jax.random.split(key, 8)
    x = jax.random.normal(ks[0], (N, D), dtype=jnp.float32)
    edge_index = jax.random.randint(ks[1], (2, E), 0, N, dtype=jnp.int32)
    scale = 1.0 / np.sqrt(D)
    W_l = jax.random.normal(ks[2], (D, D), dtype=jnp.float32) * scale
    b_l = jnp.zeros((D,), dtype=jnp.float32)
    W_r = jax.random.normal(ks[3], (D, D), dtype=jnp.float32) * scale
    ln_gamma = jnp.ones((D,), dtype=jnp.float32)
    ln_beta = jnp.zeros((D,), dtype=jnp.float32)
    return {"x": x, "edge_index": edge_index, "W_l": W_l, "b_l": b_l,
            "W_r": W_r, "ln_gamma": ln_gamma, "ln_beta": ln_beta}


def reference(x, edge_index, W_l, b_l, W_r, ln_gamma, ln_beta):
    # SAGEConv (mean aggregation, PyG semantics):
    #   out = W_l @ mean_{j in N(i)} x_j + b_l + W_r @ x_i
    src = edge_index[0]
    dst = edge_index[1]
    msgs = jnp.take(x, src, axis=0)                               # gather  [E, D]
    summed = jax.ops.segment_sum(msgs, dst, num_segments=N)       # scatter-add [N, D]
    cnt = jax.ops.segment_sum(jnp.ones((E,), jnp.float32), dst, num_segments=N)
    mean_aggr = summed / jnp.clip(cnt, 1.0)[:, None]
    conv_out = mean_aggr @ W_l.T + b_l + x @ W_r.T
    # Residual (in_channels == out_channels -> identity, no projection)
    out = conv_out + x
    out = jax.nn.relu(out)
    # LayerNorm
    mu = jnp.mean(out, axis=-1, keepdims=True)
    var = jnp.var(out, axis=-1, keepdims=True)
    out = (out - mu) / jnp.sqrt(var + 1e-5) * ln_gamma + ln_beta
    # Dropout p=0.0 (eval): identity
    return out

if __name__ == "__main__":
    import jax
    _d = setup_inputs()
    print(jax.jit(kernel)(*tuple(_d.values())))

</pallas_src>

<mosaic_0001>
#map = affine_map<(d0, d1) -> (0, 0)>
#map1 = affine_map<(d0, d1) -> (0, 0, 0)>
module attributes {stable_mosaic.version = 14 : i64} {
  func.func @_sc_aggregate_body(%arg0: i32, %arg1: i32, %arg2: memref<10000x128xf32, #tpu.memory_space<hbm>>, %arg3: memref<32x125x80xi32, #tpu.memory_space<hbm>>, %arg4: memref<32x125x80xi32, #tpu.memory_space<hbm>>, %arg5: memref<625x128xf32, #tpu.memory_space<hbm>>, %arg6: memref<705x8xf32, #tpu.memory_space<hbm>>, %arg7: memref<2x10000x128xf32, #tpu.memory_space<hbm>>, %arg8: memref<2x10000x8xf32, #tpu.memory_space<hbm>>, %arg9: memref<125x80xi32, #tpu.memory_space<vmem>>, %arg10: memref<125x80xi32, #tpu.memory_space<vmem>>, %arg11: memref<80x128xf32, #tpu.memory_space<vmem>>, %arg12: memref<80x128xf32, #tpu.memory_space<vmem>>, %arg13: memref<80x8xf32, #tpu.memory_space<vmem>>, %arg14: memref<10000x128xf32, #tpu.memory_space<vmem_shared>>, %arg15: memref<10000x8xf32, #tpu.memory_space<vmem_shared>>, %arg16: memref<!tpu.dma_semaphore, #tpu.memory_space<semaphore_mem>>, %arg17: memref<!tpu.dma_semaphore, #tpu.memory_space<semaphore_mem>>) attributes {dimension_semantics = [#tpu.dimension_semantics<core_parallel>, #tpu.dimension_semantics<subcore_parallel>], iteration_bounds = array<i64: 2, 16>, scalar_prefetch = 0 : i64, scratch_operands = 9 : i64, tpu.core_type = #tpu.core_type<sc_vector_subcore>, window_params = [{transform_indices = #map}, {transform_indices = #map1}, {transform_indices = #map1}, {transform_indices = #map}, {transform_indices = #map}, {transform_indices = #map1}, {transform_indices = #map1}]} {
    %mul3A = arith.constant 16 : i32
    %mul3A_0 = arith.muli %arg0, %mul3A : i32
    %add3A = arith.addi %mul3A_0, %arg1 : i32
    "tpu.region"() ({
      %run_scoped3A_25 = tpu.sem_alloc : memref<!tpu.dma_semaphore, #tpu.memory_space<semaphore_mem>>
      %dma_start3A_26 = arith.constant 0 : i32
      %dma_start3A_27 = arith.constant 0 : i32
      %dma_start3A_28 = tpu.memref_slice %arg3[%add3A, %dma_start3A_26, %dma_start3A_27] : memref<32x125x80xi32, #tpu.memory_space<hbm>> -> memref<1x125x80xi32, #tpu.memory_space<hbm>>
      %dma_start3A_29 = tpu.memref_squeeze %dma_start3A_28 : memref<1x125x80xi32, #tpu.memory_space<hbm>> -> memref<125x80xi32, #tpu.memory_space<hbm>>
      %dma_start3A_30 = arith.constant 0 : i32
      %dma_start3A_31 = arith.constant 0 : i32
      %dma_start3A_32 = tpu.memref_slice %arg3[%add3A, %dma_start3A_30, %dma_start3A_31] : memref<32x125x80xi32, #tpu.memory_space<hbm>> -> memref<1x125x80xi32, #tpu.memory_space<hbm>>
      %dma_start3A_33 = tpu.memref_squeeze %dma_start3A_32 : memref<1x125x80xi32, #tpu.memory_space<hbm>> -> memref<125x80xi32, #tpu.memory_space<hbm>>
      tpu.enqueue_dma source(%dma_start3A_33 : memref<125x80xi32, #tpu.memory_space<hbm>>) target(%arg9 : memref<125x80xi32, #tpu.memory_space<vmem>>) target_semaphore(%run_scoped3A_25 : memref<!tpu.dma_semaphore, #tpu.memory_space<semaphore_mem>>)
      %dma_wait3A_34 = arith.constant 0 : i32
      %dma_wait3A_35 = arith.constant 0 : i32
      %dma_wait3A_36 = tpu.memref_slice %arg3[%add3A, %dma_wait3A_34, %dma_wait3A_35] : memref<32x125x80xi32, #tpu.memory_space<hbm>> -> memref<1x125x80xi32, #tpu.memory_space<hbm>>
      %dma_wait3A_37 = tpu.memref_squeeze %dma_wait3A_36 : memref<1x125x80xi32, #tpu.memory_space<hbm>> -> memref<125x80xi32, #tpu.memory_space<hbm>>
      %dma_wait3A_38 = arith.constant 0 : i32
      %dma_wait3A_39 = arith.constant 0 : i32
      %dma_wait3A_40 = tpu.memref_slice %arg3[%add3A, %dma_wait3A_38, %dma_wait3A_39] : memref<32x125x80xi32, #tpu.memory_space<hbm>> -> memref<1x125x80xi32, #tpu.memory_space<hbm>>
      %dma_wait3A_41 = tpu.memref_squeeze %dma_wait3A_40 : memref<1x125x80xi32, #tpu.memory_space<hbm>> -> memref<125x80xi32, #tpu.memory_space<hbm>>
      tpu.wait_dma2 semaphore(%run_scoped3A_25 : memref<!tpu.dma_semaphore, #tpu.memory_space<semaphore_mem>>) src(%dma_wait3A_41 : memref<125x80xi32, #tpu.memory_space<hbm>>) dst(%arg9 : memref<125x80xi32, #tpu.memory_space<vmem>>)
      tpu.yield
    }) : () -> ()
    "tpu.region"() ({
      %run_scoped3A_25 = tpu.sem_alloc : memref<!tpu.dma_semaphore, #tpu.memory_space<semaphore_mem>>
      %dma_start3A_26 = arith.constant 0 : i32
      %dma_start3A_27 = arith.constant 0 : i32
      %dma_start3A_28 = tpu.memref_slice %arg4[%add3A, %dma_start3A_26, %dma_start3A_27] : memref<32x125x80xi32, #tpu.memory_space<hbm>> -> memref<1x125x80xi32, #tpu.memory_space<hbm>>
      %dma_start3A_29 = tpu.memref_squeeze %dma_start3A_28 : memref<1x125x80xi32, #tpu.memory_space<hbm>> -> memref<125x80xi32, #tpu.memory_space<hbm>>
      %dma_start3A_30 = arith.constant 0 : i32
      %dma_start3A_31 = arith.constant 0 : i32
      %dma_start3A_32 = tpu.memref_slice %arg4[%add3A, %dma_start3A_30, %dma_start3A_31] : memref<32x125x80xi32, #tpu.memory_space<hbm>> -> memref<1x125x80xi32, #tpu.memory_space<hbm>>
      %dma_start3A_33 = tpu.memref_squeeze %dma_start3A_32 : memref<1x125x80xi32, #tpu.memory_space<hbm>> -> memref<125x80xi32, #tpu.memory_space<hbm>>
      tpu.enqueue_dma source(%dma_start3A_33 : memref<125x80xi32, #tpu.memory_space<hbm>>) target(%arg10 : memref<125x80xi32, #tpu.memory_space<vmem>>) target_semaphore(%run_scoped3A_25 : memref<!tpu.dma_semaphore, #tpu.memory_space<semaphore_mem>>)
      %dma_wait3A_34 = arith.constant 0 : i32
      %dma_wait3A_35 = arith.constant 0 : i32
      %dma_wait3A_36 = tpu.memref_slice %arg4[%add3A, %dma_wait3A_34, %dma_wait3A_35] : memref<32x125x80xi32, #tpu.memory_space<hbm>> -> memref<1x125x80xi32, #tpu.memory_space<hbm>>
      %dma_wait3A_37 = tpu.memref_squeeze %dma_wait3A_36 : memref<1x125x80xi32, #tpu.memory_space<hbm>> -> memref<125x80xi32, #tpu.memory_space<hbm>>
      %dma_wait3A_38 = arith.constant 0 : i32
      %dma_wait3A_39 = arith.constant 0 : i32
      %dma_wait3A_40 = tpu.memref_slice %arg4[%add3A, %dma_wait3A_38, %dma_wait3A_39] : memref<32x125x80xi32, #tpu.memory_space<hbm>> -> memref<1x125x80xi32, #tpu.memory_space<hbm>>
      %dma_wait3A_41 = tpu.memref_squeeze %dma_wait3A_40 : memref<1x125x80xi32, #tpu.memory_space<hbm>> -> memref<125x80xi32, #tpu.memory_space<hbm>>
      tpu.wait_dma2 semaphore(%run_scoped3A_25 : memref<!tpu.dma_semaphore, #tpu.memory_space<semaphore_mem>>) src(%dma_wait3A_41 : memref<125x80xi32, #tpu.memory_space<hbm>>) dst(%arg10 : memref<125x80xi32, #tpu.memory_space<vmem>>)
      tpu.yield
    }) : () -> ()
    "tpu.region"() ({
      %run_scoped3A_25 = tpu.sem_alloc : memref<!tpu.dma_semaphore, #tpu.memory_space<semaphore_mem>>
      %dma_start3A_26 = arith.constant 625 : i32
      %dma_start3A_27 = arith.constant 0 : i32
      %dma_start3A_28 = tpu.memref_slice %arg6[%dma_start3A_26, %dma_start3A_27] : memref<705x8xf32, #tpu.memory_space<hbm>> -> memref<80x8xf32, #tpu.memory_space<hbm>>
      %dma_start3A_29 = arith.constant 625 : i32
      %dma_start3A_30 = arith.constant 0 : i32
      %dma_start3A_31 = tpu.memref_slice %arg6[%dma_start3A_29, %dma_start3A_30] : memref<705x8xf32, #tpu.memory_space<hbm>> -> memref<80x8xf32, #tpu.memory_space<hbm>>
      tpu.enqueue_dma source(%dma_start3A_31 : memref<80x8xf32, #tpu.memory_space<hbm>>) target(%arg13 : memref<80x8xf32, #tpu.memory_space<vmem>>) target_semaphore(%run_scoped3A_25 : memref<!tpu.dma_semaphore, #tpu.memory_space<semaphore_mem>>)
      %dma_wait3A_32 = arith.constant 625 : i32
      %dma_wait3A_33 = arith.constant 0 : i32
      %dma_wait3A_34 = tpu.memref_slice %arg6[%dma_wait3A_32, %dma_wait3A_33] : memref<705x8xf32, #tpu.memory_space<hbm>> -> memref<80x8xf32, #tpu.memory_space<hbm>>
      %dma_wait3A_35 = arith.constant 625 : i32
      %dma_wait3A_36 = arith.constant 0 : i32
      %dma_wait3A_37 = tpu.memref_slice %arg6[%dma_wait3A_35, %dma_wait3A_36] : memref<705x8xf32, #tpu.memory_space<hbm>> -> memref<80x8xf32, #tpu.memory_space<hbm>>
      tpu.wait_dma2 semaphore(%run_scoped3A_25 : memref<!tpu.dma_semaphore, #tpu.memory_space<semaphore_mem>>) src(%dma_wait3A_37 : memref<80x8xf32, #tpu.memory_space<hbm>>) dst(%arg13 : memref<80x8xf32, #tpu.memory_space<vmem>>)
      tpu.yield
    }) : () -> ()
    %mul3A_1 = arith.constant 625 : i32
    %mul3A_2 = arith.muli %arg1, %mul3A_1 : i32
    "tpu.region"() ({
      %run_scoped3A_25 = tpu.sem_alloc : memref<!tpu.dma_semaphore, #tpu.memory_space<semaphore_mem>>
      %dma_start3A_26 = arith.constant 0 : i32
      %dma_start3A_27 = tpu.memref_slice %arg14[%mul3A_2, %dma_start3A_26] : memref<10000x128xf32, #tpu.memory_space<vmem_shared>> -> memref<625x128xf32, #tpu.memory_space<vmem_shared>>
      tpu.enqueue_dma source(%arg5 : memref<625x128xf32, #tpu.memory_space<hbm>>) target(%dma_start3A_27 : memref<625x128xf32, #tpu.memory_space<vmem_shared>>) target_semaphore(%run_scoped3A_25 : memref<!tpu.dma_semaphore, #tpu.memory_space<semaphore_mem>>)
      %dma_wait3A_28 = arith.constant 0 : i32
      %dma_wait3A_29 = tpu.memref_slice %arg14[%mul3A_2, %dma_wait3A_28] : memref<10000x128xf32, #tpu.memory_space<vmem_shared>> -> memref<625x128xf32, #tpu.memory_space<vmem_shared>>
      tpu.wait_dma2 semaphore(%run_scoped3A_25 : memref<!tpu.dma_semaphore, #tpu.memory_space<semaphore_mem>>) src(%arg5 : memref<625x128xf32, #tpu.memory_space<hbm>>) dst(%dma_wait3A_29 : memref<625x128xf32, #tpu.memory_space<vmem_shared>>)
      tpu.yield
    }) : () -> ()
    %mul3A_3 = arith.constant 625 : i32
    %mul3A_4 = arith.muli %arg1, %mul3A_3 : i32
    "tpu.region"() ({
      %run_scoped3A_25 = tpu.sem_alloc : memref<!tpu.dma_semaphore, #tpu.memory_space<semaphore_mem>>
      %dma_start3A_26 = arith.constant 0 : i32
      %dma_start3A_27 = tpu.memref_slice %arg15[%mul3A_4, %dma_start3A_26] : memref<10000x8xf32, #tpu.memory_space<vmem_shared>> -> memref<625x8xf32, #tpu.memory_space<vmem_shared>>
      %dma_start3A_28 = arith.constant 0 : i32
      %dma_start3A_29 = arith.constant 0 : i32
      %dma_start3A_30 = tpu.memref_slice %arg6[%dma_start3A_28, %dma_start3A_29] : memref<705x8xf32, #tpu.memory_space<hbm>> -> memref<625x8xf32, #tpu.memory_space<hbm>>
      tpu.enqueue_dma source(%dma_start3A_30 : memref<625x8xf32, #tpu.memory_space<hbm>>) target(%dma_start3A_27 : memref<625x8xf32, #tpu.memory_space<vmem_shared>>) target_semaphore(%run_scoped3A_25 : memref<!tpu.dma_semaphore, #tpu.memory_space<semaphore_mem>>)
      %dma_wait3A_31 = arith.constant 0 : i32
      %dma_wait3A_32 = tpu.memref_slice %arg15[%mul3A_4, %dma_wait3A_31] : memref<10000x8xf32, #tpu.memory_space<vmem_shared>> -> memref<625x8xf32, #tpu.memory_space<vmem_shared>>
      %dma_wait3A_33 = arith.constant 0 : i32
      %dma_wait3A_34 = arith.constant 0 : i32
      %dma_wait3A_35 = tpu.memref_slice %arg6[%dma_wait3A_33, %dma_wait3A_34] : memref<705x8xf32, #tpu.memory_space<hbm>> -> memref<625x8xf32, #tpu.memory_space<hbm>>
      tpu.wait_dma2 semaphore(%run_scoped3A_25 : memref<!tpu.dma_semaphore, #tpu.memory_space<semaphore_mem>>) src(%dma_wait3A_35 : memref<625x8xf32, #tpu.memory_space<hbm>>) dst(%dma_wait3A_32 : memref<625x8xf32, #tpu.memory_space<vmem_shared>>)
      tpu.yield
    }) : () -> ()
    %barrier3A = arith.constant 0 : index
    tpu.barrier barrier_id(%barrier3A)
    %dma_start3A = arith.constant 0 : i32
    %dma_start3A_5 = arith.constant 0 : i32
    %dma_start3A_6 = tpu.memref_slice %arg9[%dma_start3A, %dma_start3A_5] : memref<125x80xi32, #tpu.memory_space<vmem>> -> memref<1x80xi32, #tpu.memory_space<vmem>>
    %dma_start3A_7 = tpu.memref_squeeze %dma_start3A_6 : memref<1x80xi32, #tpu.memory_space<vmem>> -> memref<80xi32, #tpu.memory_space<vmem>>
    %dma_start3A_8 = arith.constant 0 : i32
    %dma_start3A_9 = arith.constant 0 : i32
    %dma_start3A_10 = tpu.memref_slice %arg2[%dma_start3A_8, %dma_start3A_9] : memref<10000x128xf32, #tpu.memory_space<hbm>> -> memref<10000x128xf32, #tpu.memory_space<hbm>>
    tpu.enqueue_indirect_dma source(%dma_start3A_10 : memref<10000x128xf32, #tpu.memory_space<hbm>>) target(%arg11 : memref<80x128xf32, #tpu.memory_space<vmem>>) offsets(%dma_start3A_7 : memref<80xi32, #tpu.memory_space<vmem>>) semaphore(%arg16 : memref<!tpu.dma_semaphore, #tpu.memory_space<semaphore_mem>>)
    %scan3A = arith.constant 0 : i32
    %scan3A_11 = arith.constant 62 : i32
    %scan3A_12 = arith.addi %scan3A, %scan3A_11 : i32
    %scan3A_13 = arith.constant 1 : i32
    scf.for %scan3A_25 = %scan3A to %scan3A_12 step %scan3A_13  : i32 {
      %mul3A_26 = arith.constant 1 : i32
      %mul3A_27 = arith.muli %scan3A_25, %mul3A_26 : i32
      %add3A_28 = arith.constant 0 : i32
      %add3A_29 = arith.addi %add3A_28, %mul3A_27 : i32
      %mul3A_30 = arith.constant 2 : i32
      %mul3A_31 = arith.muli %add3A_29, %mul3A_30 : i32
      %add3A_32 = arith.constant 1 : i32
      %add3A_33 = arith.addi %mul3A_31, %add3A_32 : i32
      %dma_start3A_34 = arith.constant 0 : i32
      %dma_start3A_35 = tpu.memref_slice %arg9[%add3A_33, %dma_start3A_34] : memref<125x80xi32, #tpu.memory_space<vmem>> -> memref<1x80xi32, #tpu.memory_space<vmem>>
      %dma_start3A_36 = tpu.memref_squeeze %dma_start3A_35 : memref<1x80xi32, #tpu.memory_space<vmem>> -> memref<80xi32, #tpu.memory_space<vmem>>
      %dma_start3A_37 = arith.constant 0 : i32
      %dma_start3A_38 = arith.constant 0 : i32
      %dma_start3A_39 = tpu.memref_slice %arg2[%dma_start3A_37, %dma_start3A_38] : memref<10000x128xf32, #tpu.memory_space<hbm>> -> memref<10000x128xf32, #tpu.memory_space<hbm>>
      tpu.enqueue_indirect_dma source(%dma_start3A_39 : memref<10000x128xf32, #tpu.memory_space<hbm>>) target(%arg12 : memref<80x128xf32, #tpu.memory_space<vmem>>) offsets(%dma_start3A_36 : memref<80xi32, #tpu.memory_space<vmem>>) semaphore(%arg17 : memref<!tpu.dma_semaphore, #tpu.memory_space<semaphore_mem>>)
      %dma_wait3A_40 = arith.constant 0 : i32
      %dma_wait3A_41 = tpu.memref_slice %arg9[%mul3A_31, %dma_wait3A_40] : memref<125x80xi32, #tpu.memory_space<vmem>> -> memref<1x80xi32, #tpu.memory_space<vmem>>
      %dma_wait3A_42 = tpu.memref_squeeze %dma_wait3A_41 : memref<1x80xi32, #tpu.memory_space<vmem>> -> memref<80xi32, #tpu.memory_space<vmem>>
      %dma_wait3A_43 = arith.constant 0 : i32
      %dma_wait3A_44 = arith.constant 0 : i32
      %dma_wait3A_45 = tpu.memref_slice %arg2[%dma_wait3A_43, %dma_wait3A_44] : memref<10000x128xf32, #tpu.memory_space<hbm>> -> memref<10000x128xf32, #tpu.memory_space<hbm>>
      tpu.wait_indirect_dma semaphore(%arg16 : memref<!tpu.dma_semaphore, #tpu.memory_space<semaphore_mem>>) src(%dma_wait3A_45 : memref<10000x128xf32, #tpu.memory_space<hbm>>) dst(%arg11 : memref<80x128xf32, #tpu.memory_space<vmem>>)
      "tpu.region"() ({
        %run_scoped3A_64 = tpu.sem_alloc : memref<!tpu.dma_semaphore, #tpu.memory_space<semaphore_mem>>
        %dma_start3A_65 = arith.constant 0 : i32
        %dma_start3A_66 = tpu.memref_slice %arg10[%mul3A_31, %dma_start3A_65] : memref<125x80xi32, #tpu.memory_space<vmem>> -> memref<1x80xi32, #tpu.memory_space<vmem>>
        %dma_start3A_67 = tpu.memref_squeeze %dma_start3A_66 : memref<1x80xi32, #tpu.memory_space<vmem>> -> memref<80xi32, #tpu.memory_space<vmem>>
        %dma_start3A_68 = arith.constant 0 : i32
        %dma_start3A_69 = arith.constant 0 : i32
        %dma_start3A_70 = tpu.memref_slice %arg14[%dma_start3A_68, %dma_start3A_69] : memref<10000x128xf32, #tpu.memory_space<vmem_shared>> -> memref<10000x128xf32, #tpu.memory_space<vmem_shared>>
        tpu.enqueue_indirect_dma source(%arg11 : memref<80x128xf32, #tpu.memory_space<vmem>>) target(%dma_start3A_70 : memref<10000x128xf32, #tpu.memory_space<vmem_shared>>) offsets(%dma_start3A_67 : memref<80xi32, #tpu.memory_space<vmem>>) semaphore(%run_scoped3A_64 : memref<!tpu.dma_semaphore, #tpu.memory_space<semaphore_mem>>) {add = true}
        %dma_wait3A_71 = arith.constant 0 : i32
        %dma_wait3A_72 = tpu.memref_slice %arg10[%mul3A_31, %dma_wait3A_71] : memref<125x80xi32, #tpu.memory_space<vmem>> -> memref<1x80xi32, #tpu.memory_space<vmem>>
        %dma_wait3A_73 = tpu.memref_squeeze %dma_wait3A_72 : memref<1x80xi32, #tpu.memory_space<vmem>> -> memref<80xi32, #tpu.memory_space<vmem>>
        %dma_wait3A_74 = arith.constant 0 : i32
        %dma_wait3A_75 = arith.constant 0 : i32
        %dma_wait3A_76 = tpu.memref_slice %arg14[%dma_wait3A_74, %dma_wait3A_75] : memref<10000x128xf32, #tpu.memory_space<vmem_shared>> -> memref<10000x128xf32, #tpu.memory_space<vmem_shared>>
        tpu.wait_indirect_dma semaphore(%run_scoped3A_64 : memref<!tpu.dma_semaphore, #tpu.memory_space<semaphore_mem>>) src(%arg11 : memref<80x128xf32, #tpu.memory_space<vmem>>) dst(%dma_wait3A_76 : memref<10000x128xf32, #tpu.memory_space<vmem_shared>>)
        tpu.yield
      }) : () -> ()
      "tpu.region"() ({
        %run_scoped3A_64 = tpu.sem_alloc : memref<!tpu.dma_semaphore, #tpu.memory_space<semaphore_mem>>
        %dma_start3A_65 = arith.constant 0 : i32
        %dma_start3A_66 = tpu.memref_slice %arg10[%mul3A_31, %dma_start3A_65] : memref<125x80xi32, #tpu.memory_space<vmem>> -> memref<1x80xi32, #tpu.memory_space<vmem>>
        %dma_start3A_67 = tpu.memref_squeeze %dma_start3A_66 : memref<1x80xi32, #tpu.memory_space<vmem>> -> memref<80xi32, #tpu.memory_space<vmem>>
        %dma_start3A_68 = arith.constant 0 : i32
        %dma_start3A_69 = arith.constant 0 : i32
        %dma_start3A_70 = tpu.memref_slice %arg15[%dma_start3A_68, %dma_start3A_69] : memref<10000x8xf32, #tpu.memory_space<vmem_shared>> -> memref<10000x8xf32, #tpu.memory_space<vmem_shared>>
        tpu.enqueue_indirect_dma source(%arg13 : memref<80x8xf32, #tpu.memory_space<vmem>>) target(%dma_start3A_70 : memref<10000x8xf32, #tpu.memory_space<vmem_shared>>) offsets(%dma_start3A_67 : memref<80xi32, #tpu.memory_space<vmem>>) semaphore(%run_scoped3A_64 : memref<!tpu.dma_semaphore, #tpu.memory_space<semaphore_mem>>) {add = true}
        %dma_wait3A_71 = arith.constant 0 : i32
        %dma_wait3A_72 = tpu.memref_slice %arg10[%mul3A_31, %dma_wait3A_71] : memref<125x80xi32, #tpu.memory_space<vmem>> -> memref<1x80xi32, #tpu.memory_space<vmem>>
        %dma_wait3A_73 = tpu.memref_squeeze %dma_wait3A_72 : memref<1x80xi32, #tpu.memory_space<vmem>> -> memref<80xi32, #tpu.memory_space<vmem>>
        %dma_wait3A_74 = arith.constant 0 : i32
        %dma_wait3A_75 = arith.constant 0 : i32
        %dma_wait3A_76 = tpu.memref_slice %arg15[%dma_wait3A_74, %dma_wait3A_75] : memref<10000x8xf32, #tpu.memory_space<vmem_shared>> -> memref<10000x8xf32, #tpu.memory_space<vmem_shared>>
        tpu.wait_indirect_dma semaphore(%run_scoped3A_64 : memref<!tpu.dma_semaphore, #tpu.memory_space<semaphore_mem>>) src(%arg13 : memref<80x8xf32, #tpu.memory_space<vmem>>) dst(%dma_wait3A_76 : memref<10000x8xf32, #tpu.memory_space<vmem_shared>>)
        tpu.yield
      }) : () -> ()
      %add3A_46 = arith.constant 2 : i32
      %add3A_47 = arith.addi %mul3A_31, %add3A_46 : i32
      %dma_start3A_48 = arith.constant 0 : i32
      %dma_start3A_49 = tpu.memref_slice %arg9[%add3A_47, %dma_start3A_48] : memref<125x80xi32, #tpu.memory_space<vmem>> -> memref<1x80xi32, #tpu.memory_space<vmem>>
      %dma_start3A_50 = tpu.memref_squeeze %dma_start3A_49 : memref<1x80xi32, #tpu.memory_space<vmem>> -> memref<80xi32, #tpu.memory_space<vmem>>
      %dma_start3A_51 = arith.constant 0 : i32
      %dma_start3A_52 = arith.constant 0 : i32
      %dma_start3A_53 = tpu.memref_slice %arg2[%dma_start3A_51, %dma_start3A_52] : memref<10000x128xf32, #tpu.memory_space<hbm>> -> memref<10000x128xf32, #tpu.memory_space<hbm>>
      tpu.enqueue_indirect_dma source(%dma_start3A_53 : memref<10000x128xf32, #tpu.memory_space<hbm>>) target(%arg11 : memref<80x128xf32, #tpu.memory_space<vmem>>) offsets(%dma_start3A_50 : memref<80xi32, #tpu.memory_space<vmem>>) semaphore(%arg16 : memref<!tpu.dma_semaphore, #tpu.memory_space<semaphore_mem>>)
      %add3A_54 = arith.constant 1 : i32
      %add3A_55 = arith.addi %mul3A_31, %add3A_54 : i32
      %dma_wait3A_56 = arith.constant 0 : i32
      %dma_wait3A_57 = tpu.memref_slice %arg9[%add3A_55, %dma_wait3A_56] : memref<125x80xi32, #tpu.memory_space<vmem>> -> memref<1x80xi32, #tpu.memory_space<vmem>>
      %dma_wait3A_58 = tpu.memref_squeeze %dma_wait3A_57 : memref<1x80xi32, #tpu.memory_space<vmem>> -> memref<80xi32, #tpu.memory_space<vmem>>
      %dma_wait3A_59 = arith.constant 0 : i32
      %dma_wait3A_60 = arith.constant 0 : i32
      %dma_wait3A_61 = tpu.memref_slice %arg2[%dma_wait3A_59, %dma_wait3A_60] : memref<10000x128xf32, #tpu.memory_space<hbm>> -> memref<10000x128xf32, #tpu.memory_space<hbm>>
      tpu.wait_indirect_dma semaphore(%arg17 : memref<!tpu.dma_semaphore, #tpu.memory_space<semaphore_mem>>) src(%dma_wait3A_61 : memref<10000x128xf32, #tpu.memory_space<hbm>>) dst(%arg12 : memref<80x128xf32, #tpu.memory_space<vmem>>)
      %add3A_62 = arith.constant 1 : i32
      %add3A_63 = arith.addi %mul3A_31, %add3A_62 : i32
      "tpu.region"() ({
        %run_scoped3A_64 = tpu.sem_alloc : memref<!tpu.dma_semaphore, #tpu.memory_space<semaphore_mem>>
        %dma_start3A_65 = arith.constant 0 : i32
        %dma_start3A_66 = tpu.memref_slice %arg10[%add3A_63, %dma_start3A_65] : memref<125x80xi32, #tpu.memory_space<vmem>> -> memref<1x80xi32, #tpu.memory_space<vmem>>
        %dma_start3A_67 = tpu.memref_squeeze %dma_start3A_66 : memref<1x80xi32, #tpu.memory_space<vmem>> -> memref<80xi32, #tpu.memory_space<vmem>>
        %dma_start3A_68 = arith.constant 0 : i32
        %dma_start3A_69 = arith.constant 0 : i32
        %dma_start3A_70 = tpu.memref_slice %arg14[%dma_start3A_68, %dma_start3A_69] : memref<10000x128xf32, #tpu.memory_space<vmem_shared>> -> memref<10000x128xf32, #tpu.memory_space<vmem_shared>>
        tpu.enqueue_indirect_dma source(%arg12 : memref<80x128xf32, #tpu.memory_space<vmem>>) target(%dma_start3A_70 : memref<10000x128xf32, #tpu.memory_space<vmem_shared>>) offsets(%dma_start3A_67 : memref<80xi32, #tpu.memory_space<vmem>>) semaphore(%run_scoped3A_64 : memref<!tpu.dma_semaphore, #tpu.memory_space<semaphore_mem>>) {add = true}
        %dma_wait3A_71 = arith.constant 0 : i32
        %dma_wait3A_72 = tpu.memref_slice %arg10[%add3A_63, %dma_wait3A_71] : memref<125x80xi32, #tpu.memory_space<vmem>> -> memref<1x80xi32, #tpu.memory_space<vmem>>
        %dma_wait3A_73 = tpu.memref_squeeze %dma_wait3A_72 : memref<1x80xi32, #tpu.memory_space<vmem>> -> memref<80xi32, #tpu.memory_space<vmem>>
        %dma_wait3A_74 = arith.constant 0 : i32
        %dma_wait3A_75 = arith.constant 0 : i32
        %dma_wait3A_76 = tpu.memref_slice %arg14[%dma_wait3A_74, %dma_wait3A_75] : memref<10000x128xf32, #tpu.memory_space<vmem_shared>> -> memref<10000x128xf32, #tpu.memory_space<vmem_shared>>
        tpu.wait_indirect_dma semaphore(%run_scoped3A_64 : memref<!tpu.dma_semaphore, #tpu.memory_space<semaphore_mem>>) src(%arg12 : memref<80x128xf32, #tpu.memory_space<vmem>>) dst(%dma_wait3A_76 : memref<10000x128xf32, #tpu.memory_space<vmem_shared>>)
        tpu.yield
      }) : () -> ()
      "tpu.region"() ({
        %run_scoped3A_64 = tpu.sem_alloc : memref<!tpu.dma_semaphore, #tpu.memory_space<semaphore_mem>>
        %dma_start3A_65 = arith.constant 0 : i32
        %dma_start3A_66 = tpu.memref_slice %arg10[%add3A_63, %dma_start3A_65] : memref<125x80xi32, #tpu.memory_space<vmem>> -> memref<1x80xi32, #tpu.memory_space<vmem>>
        %dma_start3A_67 = tpu.memref_squeeze %dma_start3A_66 : memref<1x80xi32, #tpu.memory_space<vmem>> -> memref<80xi32, #tpu.memory_space<vmem>>
        %dma_start3A_68 = arith.constant 0 : i32
        %dma_start3A_69 = arith.constant 0 : i32
        %dma_start3A_70 = tpu.memref_slice %arg15[%dma_start3A_68, %dma_start3A_69] : memref<10000x8xf32, #tpu.memory_space<vmem_shared>> -> memref<10000x8xf32, #tpu.memory_space<vmem_shared>>
        tpu.enqueue_indirect_dma source(%arg13 : memref<80x8xf32, #tpu.memory_space<vmem>>) target(%dma_start3A_70 : memref<10000x8xf32, #tpu.memory_space<vmem_shared>>) offsets(%dma_start3A_67 : memref<80xi32, #tpu.memory_space<vmem>>) semaphore(%run_scoped3A_64 : memref<!tpu.dma_semaphore, #tpu.memory_space<semaphore_mem>>) {add = true}
        %dma_wait3A_71 = arith.constant 0 : i32
        %dma_wait3A_72 = tpu.memref_slice %arg10[%add3A_63, %dma_wait3A_71] : memref<125x80xi32, #tpu.memory_space<vmem>> -> memref<1x80xi32, #tpu.memory_space<vmem>>
        %dma_wait3A_73 = tpu.memref_squeeze %dma_wait3A_72 : memref<1x80xi32, #tpu.memory_space<vmem>> -> memref<80xi32, #tpu.memory_space<vmem>>
        %dma_wait3A_74 = arith.constant 0 : i32
        %dma_wait3A_75 = arith.constant 0 : i32
        %dma_wait3A_76 = tpu.memref_slice %arg15[%dma_wait3A_74, %dma_wait3A_75] : memref<10000x8xf32, #tpu.memory_space<vmem_shared>> -> memref<10000x8xf32, #tpu.memory_space<vmem_shared>>
        tpu.wait_indirect_dma semaphore(%run_scoped3A_64 : memref<!tpu.dma_semaphore, #tpu.memory_space<semaphore_mem>>) src(%arg13 : memref<80x8xf32, #tpu.memory_space<vmem>>) dst(%dma_wait3A_76 : memref<10000x8xf32, #tpu.memory_space<vmem_shared>>)
        tpu.yield
      }) : () -> ()
    }
    %scan3A_14 = arith.constant 62 : i32
    %dma_wait3A = arith.constant 124 : i32
    %dma_wait3A_15 = arith.constant 0 : i32
    %dma_wait3A_16 = tpu.memref_slice %arg9[%dma_wait3A, %dma_wait3A_15] : memref<125x80xi32, #tpu.memory_space<vmem>> -> memref<1x80xi32, #tpu.memory_space<vmem>>
    %dma_wait3A_17 = tpu.memref_squeeze %dma_wait3A_16 : memref<1x80xi32, #tpu.memory_space<vmem>> -> memref<80xi32, #tpu.memory_space<vmem>>
    %dma_wait3A_18 = arith.constant 0 : i32
    %dma_wait3A_19 = arith.constant 0 : i32
    %dma_wait3A_20 = tpu.memref_slice %arg2[%dma_wait3A_18, %dma_wait3A_19] : memref<10000x128xf32, #tpu.memory_space<hbm>> -> memref<10000x128xf32, #tpu.memory_space<hbm>>
    tpu.wait_indirect_dma semaphore(%arg16 : memref<!tpu.dma_semaphore, #tpu.memory_space<semaphore_mem>>) src(%dma_wait3A_20 : memref<10000x128xf32, #tpu.memory_space<hbm>>) dst(%arg11 : memref<80x128xf32, #tpu.memory_space<vmem>>)
    %run_scoped3A = arith.constant 124 : i32
    "tpu.region"() ({
      %run_scoped3A_25 = tpu.sem_alloc : memref<!tpu.dma_semaphore, #tpu.memory_space<semaphore_mem>>
      %dma_start3A_26 = arith.constant 0 : i32
      %dma_start3A_27 = tpu.memref_slice %arg10[%run_scoped3A, %dma_start3A_26] : memref<125x80xi32, #tpu.memory_space<vmem>> -> memref<1x80xi32, #tpu.memory_space<vmem>>
      %dma_start3A_28 = tpu.memref_squeeze %dma_start3A_27 : memref<1x80xi32, #tpu.memory_space<vmem>> -> memref<80xi32, #tpu.memory_space<vmem>>
      %dma_start3A_29 = arith.constant 0 : i32
      %dma_start3A_30 = arith.constant 0 : i32
      %dma_start3A_31 = tpu.memref_slice %arg14[%dma_start3A_29, %dma_start3A_30] : memref<10000x128xf32, #tpu.memory_space<vmem_shared>> -> memref<10000x128xf32, #tpu.memory_space<vmem_shared>>
      tpu.enqueue_indirect_dma source(%arg11 : memref<80x128xf32, #tpu.memory_space<vmem>>) target(%dma_start3A_31 : memref<10000x128xf32, #tpu.memory_space<vmem_shared>>) offsets(%dma_start3A_28 : memref<80xi32, #tpu.memory_space<vmem>>) semaphore(%run_scoped3A_25 : memref<!tpu.dma_semaphore, #tpu.memory_space<semaphore_mem>>) {add = true}
      %dma_wait3A_32 = arith.constant 0 : i32
      %dma_wait3A_33 = tpu.memref_slice %arg10[%run_scoped3A, %dma_wait3A_32] : memref<125x80xi32, #tpu.memory_space<vmem>> -> memref<1x80xi32, #tpu.memory_space<vmem>>
      %dma_wait3A_34 = tpu.memref_squeeze %dma_wait3A_33 : memref<1x80xi32, #tpu.memory_space<vmem>> -> memref<80xi32, #tpu.memory_space<vmem>>
      %dma_wait3A_35 = arith.constant 0 : i32
      %dma_wait3A_36 = arith.constant 0 : i32
      %dma_wait3A_37 = tpu.memref_slice %arg14[%dma_wait3A_35, %dma_wait3A_36] : memref<10000x128xf32, #tpu.memory_space<vmem_shared>> -> memref<10000x128xf32, #tpu.memory_space<vmem_shared>>
      tpu.wait_indirect_dma semaphore(%run_scoped3A_25 : memref<!tpu.dma_semaphore, #tpu.memory_space<semaphore_mem>>) src(%arg11 : memref<80x128xf32, #tpu.memory_space<vmem>>) dst(%dma_wait3A_37 : memref<10000x128xf32, #tpu.memory_space<vmem_shared>>)
      tpu.yield
    }) : () -> ()
    %run_scoped3A_21 = arith.constant 124 : i32
    "tpu.region"() ({
      %run_scoped3A_25 = tpu.sem_alloc : memref<!tpu.dma_semaphore, #tpu.memory_space<semaphore_mem>>
      %dma_start3A_26 = arith.constant 0 : i32
      %dma_start3A_27 = tpu.memref_slice %arg10[%run_scoped3A_21, %dma_start3A_26] : memref<125x80xi32, #tpu.memory_space<vmem>> -> memref<1x80xi32, #tpu.memory_space<vmem>>
      %dma_start3A_28 = tpu.memref_squeeze %dma_start3A_27 : memref<1x80xi32, #tpu.memory_space<vmem>> -> memref<80xi32, #tpu.memory_space<vmem>>
      %dma_start3A_29 = arith.constant 0 : i32
      %dma_start3A_30 = arith.constant 0 : i32
      %dma_start3A_31 = tpu.memref_slice %arg15[%dma_start3A_29, %dma_start3A_30] : memref<10000x8xf32, #tpu.memory_space<vmem_shared>> -> memref<10000x8xf32, #tpu.memory_space<vmem_shared>>
      tpu.enqueue_indirect_dma source(%arg13 : memref<80x8xf32, #tpu.memory_space<vmem>>) target(%dma_start3A_31 : memref<10000x8xf32, #tpu.memory_space<vmem_shared>>) offsets(%dma_start3A_28 : memref<80xi32, #tpu.memory_space<vmem>>) semaphore(%run_scoped3A_25 : memref<!tpu.dma_semaphore, #tpu.memory_space<semaphore_mem>>) {add = true}
      %dma_wait3A_32 = arith.constant 0 : i32
      %dma_wait3A_33 = tpu.memref_slice %arg10[%run_scoped3A_21, %dma_wait3A_32] : memref<125x80xi32, #tpu.memory_space<vmem>> -> memref<1x80xi32, #tpu.memory_space<vmem>>
      %dma_wait3A_34 = tpu.memref_squeeze %dma_wait3A_33 : memref<1x80xi32, #tpu.memory_space<vmem>> -> memref<80xi32, #tpu.memory_space<vmem>>
      %dma_wait3A_35 = arith.constant 0 : i32
      %dma_wait3A_36 = arith.constant 0 : i32
      %dma_wait3A_37 = tpu.memref_slice %arg15[%dma_wait3A_35, %dma_wait3A_36] : memref<10000x8xf32, #tpu.memory_space<vmem_shared>> -> memref<10000x8xf32, #tpu.memory_space<vmem_shared>>
      tpu.wait_indirect_dma semaphore(%run_scoped3A_25 : memref<!tpu.dma_semaphore, #tpu.memory_space<semaphore_mem>>) src(%arg13 : memref<80x8xf32, #tpu.memory_space<vmem>>) dst(%dma_wait3A_37 : memref<10000x8xf32, #tpu.memory_space<vmem_shared>>)
      tpu.yield
    }) : () -> ()
    %barrier3A_22 = arith.constant 0 : index
    tpu.barrier barrier_id(%barrier3A_22)
    %mul3A_23 = arith.constant 625 : i32
    %mul3A_24 = arith.muli %arg1, %mul3A_23 : i32
    "tpu.region"() ({
      %run_scoped3A_25 = tpu.sem_alloc : memref<!tpu.dma_semaphore, #tpu.memory_space<semaphore_mem>>
      %dma_start3A_26 = arith.constant 0 : i32
      %dma_start3A_27 = tpu.memref_slice %arg7[%arg0, %mul3A_24, %dma_start3A_26] : memref<2x10000x128xf32, #tpu.memory_space<hbm>> -> memref<1x625x128xf32, #tpu.memory_space<hbm>>
      %dma_start3A_28 = tpu.memref_squeeze %dma_start3A_27 : memref<1x625x128xf32, #tpu.memory_space<hbm>> -> memref<625x128xf32, #tpu.memory_space<hbm>>
      %dma_start3A_29 = arith.constant 0 : i32
      %dma_start3A_30 = tpu.memref_slice %arg14[%mul3A_24, %dma_start3A_29] : memref<10000x128xf32, #tpu.memory_space<vmem_shared>> -> memref<625x128xf32, #tpu.memory_space<vmem_shared>>
      tpu.enqueue_dma source(%dma_start3A_30 : memref<625x128xf32, #tpu.memory_space<vmem_shared>>) target(%dma_start3A_28 : memref<625x128xf32, #tpu.memory_space<hbm>>) target_semaphore(%run_scoped3A_25 : memref<!tpu.dma_semaphore, #tpu.memory_space<semaphore_mem>>)
      %dma_wait3A_31 = arith.constant 0 : i32
      %dma_wait3A_32 = tpu.memref_slice %arg7[%arg0, %mul3A_24, %dma_wait3A_31] : memref<2x10000x128xf32, #tpu.memory_space<hbm>> -> memref<1x625x128xf32, #tpu.memory_space<hbm>>
      %dma_wait3A_33 = tpu.memref_squeeze %dma_wait3A_32 : memref<1x625x128xf32, #tpu.memory_space<hbm>> -> memref<625x128xf32, #tpu.memory_space<hbm>>
      %dma_wait3A_34 = arith.constant 0 : i32
      %dma_wait3A_35 = tpu.memref_slice %arg14[%mul3A_24, %dma_wait3A_34] : memref<10000x128xf32, #tpu.memory_space<vmem_shared>> -> memref<625x128xf32, #tpu.memory_space<vmem_shared>>
      tpu.wait_dma2 semaphore(%run_scoped3A_25 : memref<!tpu.dma_semaphore, #tpu.memory_space<semaphore_mem>>) src(%dma_wait3A_35 : memref<625x128xf32, #tpu.memory_space<vmem_shared>>) dst(%dma_wait3A_33 : memref<625x128xf32, #tpu.memory_space<hbm>>)
      tpu.yield
    }) : () -> ()
    "tpu.region"() ({
      %run_scoped3A_25 = tpu.sem_alloc : memref<!tpu.dma_semaphore, #tpu.memory_space<semaphore_mem>>
      %dma_start3A_26 = arith.constant 0 : i32
      %dma_start3A_27 = tpu.memref_slice %arg8[%arg0, %mul3A_24, %dma_start3A_26] : memref<2x10000x8xf32, #tpu.memory_space<hbm>> -> memref<1x625x8xf32, #tpu.memory_space<hbm>>
      %dma_start3A_28 = tpu.memref_squeeze %dma_start3A_27 : memref<1x625x8xf32, #tpu.memory_space<hbm>> -> memref<625x8xf32, #tpu.memory_space<hbm>>
      %dma_start3A_29 = arith.constant 0 : i32
      %dma_start3A_30 = tpu.memref_slice %arg15[%mul3A_24, %dma_start3A_29] : memref<10000x8xf32, #tpu.memory_space<vmem_shared>> -> memref<625x8xf32, #tpu.memory_space<vmem_shared>>
      tpu.enqueue_dma source(%dma_start3A_30 : memref<625x8xf32, #tpu.memory_space<vmem_shared>>) target(%dma_start3A_28 : memref<625x8xf32, #tpu.memory_space<hbm>>) target_semaphore(%run_scoped3A_25 : memref<!tpu.dma_semaphore, #tpu.memory_space<semaphore_mem>>)
      %dma_wait3A_31 = arith.constant 0 : i32
      %dma_wait3A_32 = tpu.memref_slice %arg8[%arg0, %mul3A_24, %dma_wait3A_31] : memref<2x10000x8xf32, #tpu.memory_space<hbm>> -> memref<1x625x8xf32, #tpu.memory_space<hbm>>
      %dma_wait3A_33 = tpu.memref_squeeze %dma_wait3A_32 : memref<1x625x8xf32, #tpu.memory_space<hbm>> -> memref<625x8xf32, #tpu.memory_space<hbm>>
      %dma_wait3A_34 = arith.constant 0 : i32
      %dma_wait3A_35 = tpu.memref_slice %arg15[%mul3A_24, %dma_wait3A_34] : memref<10000x8xf32, #tpu.memory_space<vmem_shared>> -> memref<625x8xf32, #tpu.memory_space<vmem_shared>>
      tpu.wait_dma2 semaphore(%run_scoped3A_25 : memref<!tpu.dma_semaphore, #tpu.memory_space<semaphore_mem>>) src(%dma_wait3A_35 : memref<625x8xf32, #tpu.memory_space<vmem_shared>>) dst(%dma_wait3A_33 : memref<625x8xf32, #tpu.memory_space<hbm>>)
      tpu.yield
    }) : () -> ()
    return
  }
}

module attributes {stable_mosaic.version = 14 : i64} {
  func.func @_tc_fuse_body(%arg0: i32, %arg1: memref<2x1000x128xf32, #tpu.memory_space<vmem>>, %arg2: memref<2x1000x8xf32, #tpu.memory_space<vmem>>, %arg3: memref<1000x128xf32, #tpu.memory_space<vmem>>, %arg4: memref<128x128xf32, #tpu.memory_space<vmem>>, %arg5: memref<128x128xf32, #tpu.memory_space<vmem>>, %arg6: memref<1x128xf32, #tpu.memory_space<vmem>>, %arg7: memref<1x128xf32, #tpu.memory_space<vmem>>, %arg8: memref<1x128xf32, #tpu.memory_space<vmem>>, %arg9: memref<1000x128xf32, #tpu.memory_space<vmem>>) attributes {dimension_semantics = [#tpu.dimension_semantics<arbitrary>], iteration_bounds = array<i64: 10>, scalar_prefetch = 0 : i64, scratch_operands = 0 : i64, tpu.core_type = #tpu.core_type<tc>, window_params = [{transform_indices = @transform_0, window_bounds = array<i64: 2, 1000, 128>}, {transform_indices = @transform_1, window_bounds = array<i64: 2, 1000, 8>}, {transform_indices = @transform_2, window_bounds = array<i64: 1000, 128>}, {pipeline_mode = #tpu.pipeline_mode<synchronous>, transform_indices = @transform_3, window_bounds = array<i64: 128, 128>}, {pipeline_mode = #tpu.pipeline_mode<synchronous>, transform_indices = @transform_4, window_bounds = array<i64: 128, 128>}, {pipeline_mode = #tpu.pipeline_mode<synchronous>, transform_indices = @transform_5, window_bounds = array<i64: 1, 128>}, {pipeline_mode = #tpu.pipeline_mode<synchronous>, transform_indices = @transform_6, window_bounds = array<i64: 1, 128>}, {pipeline_mode = #tpu.pipeline_mode<synchronous>, transform_indices = @transform_7, window_bounds = array<i64: 1, 128>}, {transform_indices = @transform_8, window_bounds = array<i64: 1000, 128>}]} {
    %get3A = arith.constant 0 : index
    %get3A_0 = arith.constant 0 : index
    %get3A_1 = arith.constant 0 : index
    %get3A_2 = vector.load %arg1[%get3A, %get3A_0, %get3A_1] : memref<2x1000x128xf32, #tpu.memory_space<vmem>>, vector<1x1000x128xf32>
    %get3A_3 = vector.shape_cast %get3A_2 : vector<1x1000x128xf32> to vector<1000x128xf32>
    %get3A_4 = arith.constant 1 : index
    %get3A_5 = arith.constant 0 : index
    %get3A_6 = arith.constant 0 : index
    %get3A_7 = vector.load %arg1[%get3A_4, %get3A_5, %get3A_6] : memref<2x1000x128xf32, #tpu.memory_space<vmem>>, vector<1x1000x128xf32>
    %get3A_8 = vector.shape_cast %get3A_7 : vector<1x1000x128xf32> to vector<1000x128xf32>
    %add3A = arith.addf %get3A_3, %get3A_8 : vector<1000x128xf32>
    %get3A_9 = arith.constant 0 : index
    %get3A_10 = arith.constant 0 : index
    %get3A_11 = arith.constant 0 : index
    %get3A_12 = vector.load %arg2[%get3A_9, %get3A_10, %get3A_11] : memref<2x1000x8xf32, #tpu.memory_space<vmem>>, vector<1x1000x1xf32>
    %get3A_13 = vector.shape_cast %get3A_12 : vector<1x1000x1xf32> to vector<1000x1xf32>
    %get3A_14 = arith.constant 1 : index
    %get3A_15 = arith.constant 0 : index
    %get3A_16 = arith.constant 0 : index
    %get3A_17 = vector.load %arg2[%get3A_14, %get3A_15, %get3A_16] : memref<2x1000x8xf32, #tpu.memory_space<vmem>>, vector<1x1000x1xf32>
    %get3A_18 = vector.shape_cast %get3A_17 : vector<1x1000x1xf32> to vector<1000x1xf32>
    %add3A_19 = arith.addf %get3A_13, %get3A_18 : vector<1000x1xf32>
    %max3A = arith.constant 1.000000e+00 : f32
    %max3A_20 = vector.broadcast %max3A : f32 to vector<1000x1xf32>
    %max3A_21 = arith.maximumf %add3A_19, %max3A_20 : vector<1000x1xf32>
    %div3A = vector.broadcast %max3A_21 : vector<1000x1xf32> to vector<1000x128xf32>
    %div3A_22 = arith.divf %add3A, %div3A : vector<1000x128xf32>
    %get3A_23 = arith.constant 0 : index
    %get3A_24 = arith.constant 0 : index
    %get3A_25 = vector.load %arg3[%get3A_23, %get3A_24] : memref<1000x128xf32, #tpu.memory_space<vmem>>, vector<1000x128xf32>
    %get3A_26 = arith.constant 0 : index
    %get3A_27 = arith.constant 0 : index
    %get3A_28 = vector.load %arg4[%get3A_26, %get3A_27] : memref<128x128xf32, #tpu.memory_space<vmem>>, vector<128x128xf32>
    %dot_general3A = arith.constant dense<0.000000e+00> : vector<1000x128xf32>
    %dot_general3A_29 = tpu.matmul %div3A_22, %get3A_28, %dot_general3A {dimension_numbers = #tpu.dot_dimension_numbers<[1], [0], [0], [1], [0, 0, 1, 1], [], []>, precision = #tpu.contract_precision<fp32>, transpose_lhs_hint = false} : vector<1000x128xf32>, vector<128x128xf32>, vector<1000x128xf32> -> vector<1000x128xf32>
    %get3A_30 = arith.constant 0 : index
    %get3A_31 = arith.constant 0 : index
    %get3A_32 = vector.load %arg5[%get3A_30, %get3A_31] : memref<128x128xf32, #tpu.memory_space<vmem>>, vector<128x128xf32>
    %dot_general3A_33 = arith.constant dense<0.000000e+00> : vector<1000x128xf32>
    %dot_general3A_34 = tpu.matmul %get3A_25, %get3A_32, %dot_general3A_33 {dimension_numbers = #tpu.dot_dimension_numbers<[1], [0], [0], [1], [0, 0, 1, 1], [], []>, precision = #tpu.contract_precision<fp32>, transpose_lhs_hint = false} : vector<1000x128xf32>, vector<128x128xf32>, vector<1000x128xf32> -> vector<1000x128xf32>
    %add3A_35 = arith.addf %dot_general3A_29, %dot_general3A_34 : vector<1000x128xf32>
    %get3A_36 = arith.constant 0 : index
    %get3A_37 = arith.constant 0 : index
    %get3A_38 = vector.load %arg6[%get3A_36, %get3A_37] : memref<1x128xf32, #tpu.memory_space<vmem>>, vector<1x128xf32>
    %add3A_39 = vector.broadcast %get3A_38 : vector<1x128xf32> to vector<1000x128xf32>
    %add3A_40 = arith.addf %add3A_35, %add3A_39 : vector<1000x128xf32>
    %add3A_41 = arith.addf %add3A_40, %get3A_25 : vector<1000x128xf32>
    %max3A_42 = arith.constant 0.000000e+00 : f32
    %max3A_43 = vector.broadcast %max3A_42 : f32 to vector<1000x128xf32>
    %max3A_44 = arith.maximumf %add3A_41, %max3A_43 : vector<1000x128xf32>
    %reduce_sum3A = arith.constant dense<0.000000e+00> : vector<1000xf32>
    %reduce_sum3A_45 = vector.multi_reduction <add>, %max3A_44, %reduce_sum3A [1] : vector<1000x128xf32> to vector<1000xf32>
    %broadcast_in_dim3A = vector.shape_cast %reduce_sum3A_45 : vector<1000xf32> to vector<1000x1xf32>
    %div3A_46 = arith.constant 1.280000e+02 : f32
    %div3A_47 = vector.broadcast %div3A_46 : f32 to vector<1000x1xf32>
    %div3A_48 = arith.divf %broadcast_in_dim3A, %div3A_47 : vector<1000x1xf32>
    %sub3A = vector.broadcast %div3A_48 : vector<1000x1xf32> to vector<1000x128xf32>
    %sub3A_49 = arith.subf %max3A_44, %sub3A : vector<1000x128xf32>
    %integer_pow3A = arith.mulf %sub3A_49, %sub3A_49 : vector<1000x128xf32>
    %reduce_sum3A_50 = arith.constant dense<0.000000e+00> : vector<1000xf32>
    %reduce_sum3A_51 = vector.multi_reduction <add>, %integer_pow3A, %reduce_sum3A_50 [1] : vector<1000x128xf32> to vector<1000xf32>
    %broadcast_in_dim3A_52 = vector.shape_cast %reduce_sum3A_51 : vector<1000xf32> to vector<1000x1xf32>
    %div3A_53 = arith.constant 1.280000e+02 : f32
    %div3A_54 = vector.broadcast %div3A_53 : f32 to vector<1000x1xf32>
    %div3A_55 = arith.divf %broadcast_in_dim3A_52, %div3A_54 : vector<1000x1xf32>
    %sub3A_56 = vector.broadcast %div3A_48 : vector<1000x1xf32> to vector<1000x128xf32>
    %sub3A_57 = arith.subf %max3A_44, %sub3A_56 : vector<1000x128xf32>
    %add3A_58 = arith.constant 9.99999974E-6 : f32
    %add3A_59 = vector.broadcast %add3A_58 : f32 to vector<1000x1xf32>
    %add3A_60 = arith.addf %div3A_55, %add3A_59 : vector<1000x1xf32>
    %rsqrt3A = math.rsqrt %add3A_60 : vector<1000x1xf32>
    %mul3A = vector.broadcast %rsqrt3A : vector<1000x1xf32> to vector<1000x128xf32>
    %mul3A_61 = arith.mulf %sub3A_57, %mul3A : vector<1000x128xf32>
    %get3A_62 = arith.constant 0 : index
    %get3A_63 = arith.constant 0 : index
    %get3A_64 = vector.load %arg7[%get3A_62, %get3A_63] : memref<1x128xf32, #tpu.memory_space<vmem>>, vector<1x128xf32>
    %mul3A_65 = vector.broadcast %get3A_64 : vector<1x128xf32> to vector<1000x128xf32>
    %mul3A_66 = arith.mulf %mul3A_61, %mul3A_65 : vector<1000x128xf32>
    %get3A_67 = arith.constant 0 : index
    %get3A_68 = arith.constant 0 : index
    %get3A_69 = vector.load %arg8[%get3A_67, %get3A_68] : memref<1x128xf32, #tpu.memory_space<vmem>>, vector<1x128xf32>
    %add3A_70 = vector.broadcast %get3A_69 : vector<1x128xf32> to vector<1000x128xf32>
    %add3A_71 = arith.addf %mul3A_66, %add3A_70 : vector<1000x128xf32>
    %swap3A = arith.constant 0 : index
    %swap3A_72 = arith.constant 0 : index
    %swap3A_73 = vector.load %arg9[%swap3A, %swap3A_72] : memref<1000x128xf32, #tpu.memory_space<vmem>>, vector<1000x128xf32>
    tpu.vector_store %arg9[%swap3A, %swap3A_72], %add3A_71 {strides = array<i32>} : memref<1000x128xf32, #tpu.memory_space<vmem>>, vector<1000x128xf32>,
    return
  }
  func.func @transform_0(%arg0: i32) -> (i32, i32, i32) {
    %c0_i32 = arith.constant 0 : i32
    %c0_i32_0 = arith.constant 0 : i32
    %c0_i32_1 = arith.constant 0 : i32
    return %c0_i32, %arg0, %c0_i32_0 : i32, i32, i32
  }
  func.func @transform_1(%arg0: i32) -> (i32, i32, i32) {
    %c0_i32 = arith.constant 0 : i32
    %c0_i32_0 = arith.constant 0 : i32
    %c0_i32_1 = arith.constant 0 : i32
    return %c0_i32, %arg0, %c0_i32_0 : i32, i32, i32
  }
  func.func @transform_2(%arg0: i32) -> (i32, i32) {
    %c0_i32 = arith.constant 0 : i32
    %c0_i32_0 = arith.constant 0 : i32
    return %arg0, %c0_i32 : i32, i32
  }
  func.func @transform_3(%arg0: i32) -> (i32, i32) {
    %c0_i32 = arith.constant 0 : i32
    %c0_i32_0 = arith.constant 0 : i32
    %c0_i32_1 = arith.constant 0 : i32
    return %c0_i32, %c0_i32_0 : i32, i32
  }
  func.func @transform_4(%arg0: i32) -> (i32, i32) {
    %c0_i32 = arith.constant 0 : i32
    %c0_i32_0 = arith.constant 0 : i32
    %c0_i32_1 = arith.constant 0 : i32
    return %c0_i32, %c0_i32_0 : i32, i32
  }
  func.func @transform_5(%arg0: i32) -> (i32, i32) {
    %c0_i32 = arith.constant 0 : i32
    %c0_i32_0 = arith.constant 0 : i32
    %c0_i32_1 = arith.constant 0 : i32
    return %c0_i32, %c0_i32_0 : i32, i32
  }
  func.func @transform_6(%arg0: i32) -> (i32, i32) {
    %c0_i32 = arith.constant 0 : i32
    %c0_i32_0 = arith.constant 0 : i32
    %c0_i32_1 = arith.constant 0 : i32
    return %c0_i32, %c0_i32_0 : i32, i32
  }
  func.func @transform_7(%arg0: i32) -> (i32, i32) {
    %c0_i32 = arith.constant 0 : i32
    %c0_i32_0 = arith.constant 0 : i32
    %c0_i32_1 = arith.constant 0 : i32
    return %c0_i32, %c0_i32_0 : i32, i32
  }
  func.func @transform_8(%arg0: i32) -> (i32, i32) {
    %c0_i32 = arith.constant 0 : i32
    %c0_i32_0 = arith.constant 0 : i32
    return %arg0, %c0_i32 : i32, i32
  }
}

</mosaic_0001>

<sc_bundles>
// kernel: kernel.4.cloned.1.call-start
scs
__scs_entry_jumppad:
0x0: {  	(pc) =	sbr.rel $0x88, $3  }
0x1: {  	(tag) =	ssettag $0x0;
	lr =	simm.s32 $0x1  }
0x2: {  	[smem:$0x3F9A] =	sst lr;
	_ =	strace $0xD0000000  }
0x3: {  	_ = 	snop  }
0x4: {  	_ = 	snop  }
0x5: {  	_ = 	snop  }
0x6: {  	_ = 	snop  }
0x7: {  	_ = 	snop  }
__scs_overlays_trampoline_lowered:
0x8: {  	[smem:$0x3FA9] =	sst s0  }
0x9: {  	[smem:$0x3FAA] =	sst s1  }
0xa: {  	[smem:$0x3FAB] =	sst s2  }
0xb: {  	[smem:$0x3FAC] =	sst s3  }
0xc: {  	[smem:$0x3FAD] =	sst s4  }
0xd: {  	[smem:$0x3FAE] =	sst s5  }
0xe: {  	[smem:$0x3FAF] =	sst s6  }
0xf: {  	[smem:$0x3FB0] =	sst s7  }
0x10: {  	[smem:$0x3FB1] =	sst s8  }
0x11: {  	[smem:$0x3FB2] =	sst s9;
	s0 =	simm.s32 @!p0 $0x0  }
0x12: {  	s1 =	sld [smem:$0x3F98];
	s0 =	simm.s32 @p0 $0x1  }
0x13: {  	[smem:$0x3FB3] =	sst s0;
	s0 =	simm.s32 @!p1 $0x0  }
0x14: {  	s2 =	sld [smem:$0x3F97];
	s0 =	simm.s32 @p1 $0x1  }
0x15: {  	[smem:$0x3FB4] =	sst s0;
	s0 =	simm.s32 @!p2 $0x0  }
0x16: {  	s3 =	sld [smem:$0x3FDB];
	s0 =	simm.s32 @p2 $0x1  }
0x17: {  	s4 =	simm.s32 $0x1BF5;
	[smem:$0x3FB6] =	sst s0  }
0x18: {  	s0 =	sld [smem:$0x3F99];
	_ =	swait.ge [sflag:s4], $0x0  }
0x19: {  	s7 =	sld [smem:$0x3F9A]  }
0x1a: {  	s8 =	sadd.s32 $0xFFFFE003, lr  }
0x1b: {  	s9 =	sadd.s32 $0xFFFFFEF7, lr;
	s5 =	simm.s32 $0xFFFFFFFF;
	p2 =	slt.u32 s8, $0xFFFFF086  }
0x1c: {  	p1 =	slt.u32 s9, $0xF7A;
	s5 =	simm.s32 @!p2 $0x0  }
0x1d: {  	s5 =	simm.s32 @p1 $0x1;
	p0 =	seq.s32 s7, s2  }
0x1e: {  	s7 =	smul.u32 @!p0 $0xF7A, s2;
	p2 =	seq.s32 @!p0 s5, $0x0  }
0x1f: {  	s9 =	smul.u32 $0xF7A, s1;
	s8 =	simm.s32 @!p0 $0x1BF5;
	p2 =	por !p2, p0  }
0x20: {  	[sflag:s8] =	ssyncset.s32 @!p0 $0xFFFFF086;
	s6 =	sadd.s32 @!p0 s3, s7;
	s7 =	simm.s32 @!p0 $0x108  }
0x21: {  	s3 =	sadd.s32 s3, s9;
	s6 =	sadd.s32 @!p0 $0x88, s6;
	s7 =	simm.s32 @p2 $0x1082  }
0x22: {  	[simem:s7], [sflag:s8] =	dma.local @!p0 [hbm:s6], $0xF7A  }
0x23: {  	s9 =	sor.u32 $0xD0000000, s2;
	s6 =	simm.s32 $0x108;
	_ =	swait.ge @!p0 [sflag:s8], $0x0  }
0x24: {  	s3 =	sadd.s32 $0x88, s3;
	s6 =	simm.s32 @!p1 $0x1082;
	[sflag:s4] =	ssyncset.s32 $0xFFFFF086  }
0x25: {  	[simem:s6], [sflag:s4] =	dma.local [hbm:s3], $0xF7A  }
0x26: {  	[smem:$0x3F9A] =	sst s1;
	(tag) =	ssettag s2;
	_ =	strace s9  }
0x27: {  	s1 =	sld [smem:$0x3FAA]  }
0x28: {  	s2 =	sld [smem:$0x3FAB]  }
0x29: {  	s4 =	sld [smem:$0x3FAD]  }
0x2a: {  	p0 =	seq.s32 s5, $0x0;
	s5 =	sld [smem:$0x3FAE]  }
0x2b: {  	s6 =	sld [smem:$0x3FAF]  }
0x2c: {  	s7 =	sld [smem:$0x3FB0]  }
0x2d: {  	s3 =	simm.s32 $0x108;
	s8 =	sld [smem:$0x3FB1]  }
0x2e: {  	s3 =	simm.s32 @!p0 $0x1082;
	s9 =	sld [smem:$0x3FB2]  }
0x2f: {  	lr =	sadd.s32 s0, s3;
	s0 =	sld [smem:$0x3FA9]  }
0x30: {  	s3 =	sld [smem:$0x3FAC]  }
0x31: {  	[smem:$0x3FB5] =	sst s10  }
0x32: {  	s10 =	sld [smem:$0x3FB3];
	_ =	sdelay $0x3  }
0x33: {  	p0 =	seq.s32 s10, $0x1;
	s10 =	sld [smem:$0x3FB5];
	_ =	sdelay $0x3  }
0x34: {  	[smem:$0x3FB5] =	sst s10  }
0x35: {  	s10 =	sld [smem:$0x3FB4];
	_ =	sdelay $0x3  }
0x36: {  	p1 =	seq.s32 s10, $0x1;
	s10 =	sld [smem:$0x3FB5];
	_ =	sdelay $0x3  }
0x37: {  	[smem:$0x3FB5] =	sst s10  }
0x38: {  	s10 =	sld [smem:$0x3FB6]  }
0x39: {  	_ = 	snop;
	(pc) =	sbr.ind lr, $3  }
0x3a: {  	_ = 	snop  }
0x3b: {  	_ = 	snop  }
0x3c: {  	p2 =	seq.s32 s10, $0x1;
	s10 =	sld [smem:$0x3FB5]  }
0x3d: {  	_ =	shalt  }
0x3e: {  	_ =	shalt  }
0x3f: {  	_ =	shalt  }
0x40: {  	_ =	shalt  }
0x41: {  	_ =	shalt  }
0x42: {  	_ =	shalt  }
0x43: {  	_ =	shalt  }
0x44: {  	_ =	shalt  }
0x45: {  	_ =	shalt  }
0x46: {  	_ =	shalt  }
0x47: {  	_ =	shalt  }
0x48: {  	_ =	shalt  }
0x49: {  	_ =	shalt  }
0x4a: {  	_ =	shalt  }
0x4b: {  	_ =	shalt  }
0x4c: {  	_ =	shalt  }
0x4d: {  	_ =	shalt  }
0x4e: {  	_ =	shalt  }
0x4f: {  	_ =	shalt  }
0x50: {  	_ =	shalt  }
0x51: {  	_ =	shalt  }
0x52: {  	_ =	shalt  }
0x53: {  	_ =	shalt  }
0x54: {  	_ =	shalt  }
0x55: {  	_ =	shalt  }
0x56: {  	_ =	shalt  }
0x57: {  	_ =	shalt  }
0x58: {  	_ =	shalt  }
0x59: {  	_ =	shalt  }
0x5a: {  	_ =	shalt  }
0x5b: {  	_ =	shalt  }
0x5c: {  	_ =	shalt  }
0x5d: {  	_ =	shalt  }
0x5e: {  	_ =	shalt  }
0x5f: {  	_ =	shalt  }
0x60: {  	_ =	shalt  }
0x61: {  	_ =	shalt  }
0x62: {  	_ =	shalt  }
0x63: {  	_ =	shalt  }
0x64: {  	_ =	shalt  }
0x65: {  	_ =	shalt  }
0x66: {  	_ =	shalt  }
0x67: {  	_ =	shalt  }
0x68: {  	_ =	shalt  }
0x69: {  	_ =	shalt  }
0x6a: {  	_ =	shalt  }
0x6b: {  	_ =	shalt  }
0x6c: {  	_ =	shalt  }
0x6d: {  	_ =	shalt  }
0x6e: {  	_ =	shalt  }
0x6f: {  	_ =	shalt  }
0x70: {  	_ =	shalt  }
0x71: {  	_ =	shalt  }
0x72: {  	_ =	shalt  }
0x73: {  	_ =	shalt  }
0x74: {  	_ =	shalt  }
0x75: {  	_ =	shalt  }
0x76: {  	_ =	shalt  }
0x77: {  	_ =	shalt  }
0x78: {  	_ =	shalt  }
0x79: {  	_ =	shalt  }
0x7a: {  	_ =	shalt  }
0x7b: {  	_ =	shalt  }
0x7c: {  	_ =	shalt  }
0x7d: {  	_ =	shalt  }
0x7e: {  	_ =	shalt  }
0x7f: {  	_ =	shalt  }
0x80: {  	_ =	shalt  }
0x81: {  	_ =	shalt  }
0x82: {  	_ =	shalt  }
0x83: {  	_ =	shalt  }
0x84: {  	_ =	shalt  }
0x85: {  	_ =	shalt  }
0x86: {  	_ =	shalt  }
0x87: {  	_ =	shalt  }
.Lfunc_end0:
.L_simem_size_0:
called_computation_lowered:
.L_overlay_start_0:
0x88: {  	s2 =	sld [smem:$0x3FD9]  }
0x89: {  	s3 =	sld [smem:$0x3FFE];
	_ =	sdelay $0x1  }
0x8a: {  	s1 =	srdreg.scid  }
0x8b: {  	s0 =	sand.u32 $0x1, s1  }
0x8c: {  	s17 =	sshll.u32 s0, $0xA;
	s2 =	sadd.s32 s3, s2  }
0x8d: {  	s2 =	sadd.s32 s2, s17  }
0x8e: {  	[smem:$0x3FC1] =	sst s2  }
0x8f: {  	_ = 	snop  }
0x90: {  	s2 =	sld [smem:$0x3FC9]  }
0x91: {  	s18 =	sld [smem:$0x3FD0];
	(tm) =	ssettm $0x1  }
0x92: {  	s4 =	sld [smem:$0x3FFB];
	_ =	sdelay $0x3  }
0x93: {  	_ =	strace s4  }
0x94: {  	s4 =	sld [smem:$0x3FFC];
	_ =	sdelay $0x3  }
0x95: {  	_ =	strace s4  }
0x96: {  	s4 =	sld [smem:$0x3FFD];
	_ =	sdelay $0x3  }
0x97: {  	_ =	strace s4  }
0x98: {  	_ =	strace $0x8FFFFFFF  }
0x99: {  	s19 =	sld [smem:$0x3FDB];
	_ =	sdelay $0x1  }
0x9a: {  	s5 =	simm.s32 $_scs_section_size  }
0x9b: {  	s6 =	simm.s32 $_size__tile_overlayer_lowered;
	s7 =	simm.s32 $_tile_overlayer_lowered  }
0x9c: {  	s22 =	simm.s32 $0x1BFF;
	s21 =	sshll.u32 s7, $0x1;
	s4 =	sadd.s32 s5, s19  }
0x9d: {  	s8 =	simm.s32 $0x0;
	s20 =	sshll.u32 s6, $0x1;
	s6 =	sadd.s32 s21, s4  }
0x9e: {  	[timem:s8], [sflag:s22] =	dma.local [hbm:s6], s20  }
0x9f: {  	_ =	swait.ge [sflag:s22], s20  }
0xa0: {  	s5 =	ssub.s32 $0x0, s20;
	[sflag:s22] =	ssyncset.done $0x0  }
0xa1: {  	[sflag:s22] =	ssyncadd.s32 s5;
	_ =	sdelay $0x1  }
0xa2: {  	s23 =	simm.s32 $0x1B8B  }
0xa3: {  	_ =	swait.ge [sflag:s23], $0x1  }
0xa4: {  	[sflag:s23] =	ssyncset.done $0x0  }
0xa5: {  	s25 =	simm.s32 $0x1B8E;
	s24 =	sld [smem:$0x3FFE];
	[sflag:s23] =	ssyncadd.s32 $0xFFFFFFFF  }
0xa6: {  	s26 =	simm.s32 $execute0_lowered;
	[smem:$0x3FD2] =	sst s25  }
0xa7: {  	s6 =	sshll.u32 s26, $0x1;
	_ =	strace $0x80000046;
	[dreg:$0x1] =	wrdreg $0xFFFFFFFF  }
0xa8: {  	s28 =	simm.s32 $_size_execute0_lowered;
	s4 =	sadd.s32 s4, s6;
	[dreg:$0x0] =	wrdreg $0x0  }
0xa9: {  	s6 =	sshll.u32 s28, $0x1;
	[dreg:$0x2] =	wrdreg s4  }
0xaa: {  	[dreg:$0x3] =	wrdreg s6  }
0xab: {  	[dreg:$0x4] =	wrdreg $0xC0  }
0xac: {  	_ =	task [dreg:s8], $0x5FFFF  }
0xad: {  	[dreg:$0x1] =	wrdreg $0xFFFFFFFF  }
0xae: {  	[dreg:$0x0] =	wrdreg $0x60  }
0xaf: {  	[dreg:$0x2] =	wrdreg s2  }
0xb0: {  	[dreg:$0x3] =	wrdreg s24  }
0xb1: {  	[dreg:$0x4] =	wrdreg s18  }
0xb2: {  	[dreg:$0x5] =	wrdreg $0xA0A00  }
0xb3: {  	[dreg:$0x6] =	wrdreg $0x1D9200  }
0xb4: {  	[dreg:$0x7] =	wrdreg $0x9  }
0xb5: {  	_ =	task.clear_ibuf [dreg:s8], $0x8FFFF;
	_ =	strace $0x90000046  }
0xb6: {  	s29 =	simm.s32 $0x9;
	_ =	strace $0x80000048  }
0xb7: {  	_ =	swait.ge [sflag:s29], $0x1  }
0xb8: {  	[sflag:s29] =	ssyncadd.s32 $0xFFFFFFFF  }
0xb9: {  	_ =	strace $0x90000048  }
0xba: {  	_ =	sfence  }
0xbb: {  	s30 =	sld [smem:$0x0];
	_ =	sdelay $0x2  }
0xbc: {  	s31 =	sshll.u32 s1, $0xD;
	s1 =	sshrl.u32 s1, $0x2  }
0xbd: {  	s3 =	sand.u32 $0x4000, s31;
	s1 =	sadd.s32 s1, s30  }
0xbe: {  	s0 =	sor.u32 s3, s0;
	s1 =	sshll.u32 s1, $0x11  }
0xbf: {  	s0 =	sor.u32 s1, s0  }
0xc0: {  	s0 =	sadd.s32 $0x8F2B, s0  }
0xc1: {  	[sflag:s0] =	ssyncadd.remote.s32 $0x1  }
0xc2: {  	_ =	sfence.sel $0xFFFF  }
0xc3: {  	[dreg:$0x0] =	wrdreg $0xFFFFFFFF;
	(pc) =	sbr.abs _section_cstart, $3  }
0xc4: {  	[dreg:$0x1] =	wrdreg $0xFFFFFFFF  }
0xc5: {  	_ =	task.clear_ibuf [dreg:s8], $0x2FFFF;
	_ =	strace $0x9FFFFFFF  }
0xc6: {  	(tm) =	ssettm $0x7FFFFFFF  }
0xc7: {  	_ =	shalt  }
tec
execute0_lowered:
.L_overlay_start_1:
0x0: {  	(tag) =	ssettag $0x1  }
0x1: {  	s1 =	rddreg [dreg:$0x0]  }
0x2: {  	s10 =	rddreg [dreg:$0x1]  }
0x3: {  	s9 =	rddreg [dreg:$0x2]  }
0x4: {  	s3 =	rddreg [dreg:$0x3]  }
0x5: {  	s0 =	srdreg.scid;
	s4 =	rddreg [dreg:$0x4];
	s5 =	simm.s32 $0x0  }
0x6: {  	s20 =	simm.s32 $0x50;
	s21 =	simm.s32 $0x4E20;
	s22 =	simm.s32 $0x7620  }
0x7: {  	s23 =	simm.s32 $0x1;
	s8 =	sand.u32 $0x1, s0;
	s0 =	stileid.u32  }
0x8: {  	s24 =	simm.s32 $0x2;
	s25 =	simm.s32 $0x4DD0;
	s12 =	smul.u32 $0x13880, s0  }
0x9: {  	s26 =	simm.s32 $0x0;
	[smem:$0x7FF] =	sst s5;
	s13 =	smul.u32 $0x138800, s8  }
0xa: {  	s6 =	sadd.s32 $0xB600, s10;
	s7 =	sadd.s32 $0x1400, s10;
	s14 =	smul.u32 $0x1388, s0  }
0xb: {  	s2 =	sshll.u32 s8, $0x4;
	_ =	strace $0x80000047;
	s16 =	smul.u32 $0x13880, s8  }
0xc: {  	s8 =	ssub.s32 $0x2, s8;
	s31 =	sshll.u32 s0, $0x6;
	s2 =	sor.u32 s0, s2  }
0xd: {  	s17 =	sshrl.u32 s8, $0x1;
	s11 =	smul.u32 $0x4E2, s2;
	s13 =	sadd.s32 s12, s13  }
0xe: {  	s16 =	sadd.s32 s14, s16;
	s17 =	ssub.s32 s8, s17;
	s18 =	sadd.s32 s12, s3  }
0xf: {  	s19 =	sadd.s32 s14, s4;
	s14 =	simm.s32 $0x3;
	s13 =	sshrl.u32 s13, $0x3  }
0x10: {  	s16 =	sshrl.u32 s16, $0x3;
	s18 =	sshrl.u32 s18, $0x3;
	s19 =	sshrl.u32 s19, $0x3  }
0x11: {  	s15 =	sadd.s32 s11, s10;
	s13 =	sadd.s32 s13, s10;
	s16 =	sadd.s32 s16, s10  }
0x12: {  	s9 =	sadd.s32 s9, s11;
	s10 =	sadd.s32 $0x1671, s10;
	s8 =	sadd.s32 $0x1800, s15  }
0x13: {  	s11 =	sadd.s32 $0x12E00, s13;
	s12 =	sadd.s32 $0xDE00, s16;
	s13 =	smax.u32 s17, $0x1  }
0x14: {  	s15 =	simm.s32 $0x2710;
	s16 =	simm.s32 $0x9E20;
	s17 =	sor.u32 $0x1C03, s31  }
.LBB2_1:
0x15: {  	[tilespmem:s5], [sflag:$0x3] =	stream.linear.gather [hbm4b:s8+s5], $0x2710, $0x38;
	[tilespmem:$0x1ECA8] =	vst v63  }
0x16: {  	_ =	swait.ge [sflag:s14], $0x2710  }
0x17: {  	[sflag:s14] =	ssyncset.done $0x0  }
0x18: {  	[sflag:s14] =	ssyncadd.s32 $0xFFFFD8F0  }
0x19: {  	[tilespmem:s15], [sflag:$0x3] =	stream.linear.gather [hbm4b:s9+s5], $0x2710, $0x38;
	[tilespmem:$0x1ECA8] =	vst v63  }
0x1a: {  	_ =	swait.ge [sflag:s14], $0x2710  }
0x1b: {  	[sflag:s14] =	ssyncset.done $0x0  }
0x1c: {  	[sflag:s14] =	ssyncadd.s32 $0xFFFFD8F0  }
0x1d: {  	[tilespmem:s16], [sflag:$0x3] =	stream.linear.gather [hbm4b:s10+s5], $0x280, $0x38;
	[tilespmem:$0x1ECA8] =	vst v63  }
0x1e: {  	_ =	swait.ge [sflag:s14], $0x280  }
0x1f: {  	[sflag:s14] =	ssyncset.done $0x0  }
0x20: {  	[sflag:s14] =	ssyncadd.s32 $0xFFFFFD80  }
0x21: {  	[spmem:s18], [sflag:s17] =	dma.local [hbm:s6], $0x2710  }
0x22: {  	_ =	swait.ge [sflag:s14], $0x2710  }
0x23: {  	[sflag:s14] =	ssyncset.done $0x0  }
0x24: {  	[sflag:s14] =	ssyncadd.s32 $0xFFFFD8F0  }
0x25: {  	[spmem:s19], [sflag:s17] =	dma.local [hbm:s7], $0x271  }
0x26: {  	_ =	swait.ge [sflag:s14], $0x271  }
0x27: {  	[sflag:s14] =	ssyncset.done $0x0  }
0x28: {  	[sflag:s14] =	ssyncadd.s32 $0xFFFFFD8F  }
0x29: {  	[bflag:$0x0] =	sbarrier.arrive $0xFFFF  }
0x2a: {  	[tilespmem:s21], [sflag:$0x1] =	stream.indirect.gather [hbm4b:s1+s20], $0x80, s5, s20, $0xb8;
	[tilespmem:$0x1ECA8] =	vst v63  }
0x2b: {  	s28 =	simm.s32 $0x50  }
0x2c: {  	[tilespmem:s22], [sflag:$0x2] =	stream.indirect.gather [hbm4b:s1+s20], $0x80, s28, s20, $0xb8;
	[tilespmem:$0x1ECA8] =	vst v63  }
0x2d: {  	_ =	swait.ge [sflag:s23], $0x2800  }
0x2e: {  	[sflag:s23] =	ssyncset.done $0x0  }
0x2f: {  	s28 =	simm.s32 $0x2710;
	[sflag:s23] =	ssyncadd.s32 $0xFFFFD800  }
0x30: {  	[spmem:s3] =	stream.indirect.scatter.add.f32 [tilespmem:s21], [sflag:$0x3], $0x80, s28, s20, $0xb8;
	[tilespmem:$0x1ECA8] =	vst v63  }
0x31: {  	_ =	swait.ge [sflag:s14], $0x2800  }
0x32: {  	[sflag:s14] =	ssyncset.done $0x0  }
0x33: {  	[sflag:s14] =	ssyncadd.s32 $0xFFFFD800  }
0x34: {  	[spmem:s4] =	stream.indirect.scatter.add.f32 [tilespmem:s16], [sflag:$0x3], $0x8, s28, s20, $0xb8;
	[tilespmem:$0x1ECA8] =	vst v63  }
0x35: {  	_ =	swait.ge [sflag:s14], $0x280  }
0x36: {  	[sflag:s14] =	ssyncset.done $0x0  }
0x37: {  	s28 =	simm.s32 $0xA0;
	[sflag:s14] =	ssyncadd.s32 $0xFFFFFD80  }
0x38: {  	[tilespmem:s21], [sflag:$0x1] =	stream.indirect.gather [hbm4b:s1+s20], $0x80, s28, s20, $0xb8;
	[tilespmem:$0x1ECA8] =	vst v63  }
0x39: {  	_ =	swait.ge [sflag:s24], $0x2800  }
0x3a: {  	[sflag:s24] =	ssyncset.done $0x0  }
0x3b: {  	s28 =	simm.s32 $0x2760;
	[sflag:s24] =	ssyncadd.s32 $0xFFFFD800  }
0x3c: {  	[spmem:s3] =	stream.indirect.scatter.add.f32 [tilespmem:s22], [sflag:$0x3], $0x80, s28, s20, $0xb8;
	[tilespmem:$0x1ECA8] =	vst v63  }
0x3d: {  	_ =	swait.ge [sflag:s14], $0x2800  }
0x3e: {  	[sflag:s14] =	ssyncset.done $0x0  }
0x3f: {  	[sflag:s14] =	ssyncadd.s32 $0xFFFFD800  }
0x40: {  	[spmem:s4] =	stream.indirect.scatter.add.f32 [tilespmem:s16], [sflag:$0x3], $0x8, s28, s20, $0xb8;
	[tilespmem:$0x1ECA8] =	vst v63  }
0x41: {  	_ =	swait.ge [sflag:s14], $0x280  }
0x42: {  	s29 =	simm.s32 $0x500;
	s28 =	simm.s32 $0xA0;
	[sflag:s14] =	ssyncset.done $0x0  }
.LBB2_2:
0x43: {  	s30 =	sadd.s32 $0x50, s28  }
0x44: {  	[sflag:s14] =	ssyncadd.s32 $0xFFFFFD80;
	s31 =	smov.u32 s29;
	s2 =	sadd.s32 $0x280, s29  }
0x45: {  	[tilespmem:s22], [sflag:$0x2] =	stream.indirect.gather [hbm4b:s1+s20], $0x80, s30, s20, $0xb8;
	[tilespmem:$0x1ECA8] =	vst v63  }
0x46: {  	p0 =	sne.s32 s29, $0x9880;
	_ =	swait.ge [sflag:s23], $0x2800  }
0x47: {  	[sflag:s23] =	ssyncset.done $0x0  }
0x48: {  	s29 =	sadd.s32 $0x2710, s28;
	[sflag:s23] =	ssyncadd.s32 $0xFFFFD800  }
0x49: {  	[spmem:s3] =	stream.indirect.scatter.add.f32 [tilespmem:s21], [sflag:$0x3], $0x80, s29, s20, $0xb8;
	[tilespmem:$0x1ECA8] =	vst v63  }
0x4a: {  	_ =	swait.ge [sflag:s14], $0x2800  }
0x4b: {  	[sflag:s14] =	ssyncset.done $0x0  }
0x4c: {  	[sflag:s14] =	ssyncadd.s32 $0xFFFFD800  }
0x4d: {  	[spmem:s4] =	stream.indirect.scatter.add.f32 [tilespmem:s16], [sflag:$0x3], $0x8, s29, s20, $0xb8;
	[tilespmem:$0x1ECA8] =	vst v63  }
0x4e: {  	_ =	swait.ge [sflag:s14], $0x280  }
0x4f: {  	[sflag:s14] =	ssyncset.done $0x0  }
0x50: {  	s29 =	sadd.s32 $0xA0, s28;
	[sflag:s14] =	ssyncadd.s32 $0xFFFFFD80  }
0x51: {  	[tilespmem:s21], [sflag:$0x1] =	stream.indirect.gather [hbm4b:s1+s20], $0x80, s29, s20, $0xb8;
	[tilespmem:$0x1ECA8] =	vst v63  }
0x52: {  	_ =	swait.ge [sflag:s24], $0x2800  }
0x53: {  	[sflag:s24] =	ssyncset.done $0x0  }
0x54: {  	s28 =	sadd.s32 $0x2760, s28;
	[sflag:s24] =	ssyncadd.s32 $0xFFFFD800  }
0x55: {  	[spmem:s3] =	stream.indirect.scatter.add.f32 [tilespmem:s22], [sflag:$0x3], $0x80, s28, s20, $0xb8;
	[tilespmem:$0x1ECA8] =	vst v63  }
0x56: {  	_ =	swait.ge [sflag:s14], $0x2800  }
.Ltmp0:
0x57: {  	[sflag:s14] =	ssyncset.done $0x0;
	(pc) =	sbr.rel @p0 .LBB2_2-.Ltmp0, $4  }
0x58: {  	[sflag:s14] =	ssyncadd.s32 $0xFFFFD800  }
0x59: {  	[spmem:s4] =	stream.indirect.scatter.add.f32 [tilespmem:s16], [sflag:$0x3], $0x8, s28, s20, $0xb8;
	[tilespmem:$0x1ECA8] =	vst v63  }
0x5a: {  	_ =	swait.ge [sflag:s14], $0x280  }
0x5b: {  	s29 =	smov.u32 s2;
	s28 =	sshra.s32 s31, $0x2;
	[sflag:s14] =	ssyncset.done $0x0  }
0x5c: {  	s2 =	sadd.s32 $0x50, s28;
	[sflag:s14] =	ssyncadd.s32 $0xFFFFFD80  }
0x5d: {  	[tilespmem:s22], [sflag:$0x2] =	stream.indirect.gather [hbm4b:s1+s20], $0x80, s2, s20, $0xb8;
	[tilespmem:$0x1ECA8] =	vst v63  }
0x5e: {  	_ =	swait.ge [sflag:s23], $0x2800  }
0x5f: {  	[sflag:s23] =	ssyncset.done $0x0  }
0x60: {  	s29 =	sadd.s32 $0x2710, s28;
	[sflag:s23] =	ssyncadd.s32 $0xFFFFD800  }
0x61: {  	[spmem:s3] =	stream.indirect.scatter.add.f32 [tilespmem:s21], [sflag:$0x3], $0x80, s29, s20, $0xb8;
	[tilespmem:$0x1ECA8] =	vst v63  }
0x62: {  	_ =	swait.ge [sflag:s14], $0x2800  }
0x63: {  	[sflag:s14] =	ssyncset.done $0x0  }
0x64: {  	[sflag:s14] =	ssyncadd.s32 $0xFFFFD800  }
0x65: {  	[spmem:s4] =	stream.indirect.scatter.add.f32 [tilespmem:s16], [sflag:$0x3], $0x8, s29, s20, $0xb8;
	[tilespmem:$0x1ECA8] =	vst v63  }
0x66: {  	_ =	swait.ge [sflag:s14], $0x280  }
0x67: {  	[sflag:s14] =	ssyncset.done $0x0  }
0x68: {  	s30 =	sadd.s32 $0xA0, s28;
	[sflag:s14] =	ssyncadd.s32 $0xFFFFFD80  }
0x69: {  	[tilespmem:s21], [sflag:$0x1] =	stream.indirect.gather [hbm4b:s1+s20], $0x80, s30, s20, $0xb8;
	[tilespmem:$0x1ECA8] =	vst v63  }
0x6a: {  	_ =	swait.ge [sflag:s24], $0x2800  }
0x6b: {  	[sflag:s24] =	ssyncset.done $0x0  }
0x6c: {  	s31 =	sadd.s32 $0x2760, s28;
	[sflag:s24] =	ssyncadd.s32 $0xFFFFD800  }
0x6d: {  	[spmem:s3] =	stream.indirect.scatter.add.f32 [tilespmem:s22], [sflag:$0x3], $0x80, s31, s20, $0xb8;
	[tilespmem:$0x1ECA8] =	vst v63  }
0x6e: {  	_ =	swait.ge [sflag:s14], $0x2800  }
0x6f: {  	[sflag:s14] =	ssyncset.done $0x0  }
0x70: {  	[sflag:s14] =	ssyncadd.s32 $0xFFFFD800  }
0x71: {  	[spmem:s4] =	stream.indirect.scatter.add.f32 [tilespmem:s16], [sflag:$0x3], $0x8, s31, s20, $0xb8;
	[tilespmem:$0x1ECA8] =	vst v63  }
0x72: {  	_ =	swait.ge [sflag:s14], $0x280  }
0x73: {  	[sflag:s14] =	ssyncset.done $0x0  }
0x74: {  	[sflag:s14] =	ssyncadd.s32 $0xFFFFFD80  }
0x75: {  	_ =	swait.ge [sflag:s23], $0x2800  }
0x76: {  	[sflag:s23] =	ssyncset.done $0x0  }
0x77: {  	[sflag:s23] =	ssyncadd.s32 $0xFFFFD800  }
0x78: {  	[spmem:s3] =	stream.indirect.scatter.add.f32 [tilespmem:s21], [sflag:$0x3], $0x80, s25, s20, $0xb8;
	[tilespmem:$0x1ECA8] =	vst v63  }
0x79: {  	_ =	swait.ge [sflag:s14], $0x2800  }
0x7a: {  	[sflag:s14] =	ssyncset.done $0x0  }
0x7b: {  	[sflag:s14] =	ssyncadd.s32 $0xFFFFD800  }
0x7c: {  	[spmem:s4] =	stream.indirect.scatter.add.f32 [tilespmem:s16], [sflag:$0x3], $0x8, s25, s20, $0xb8;
	[tilespmem:$0x1ECA8] =	vst v63  }
0x7d: {  	_ =	swait.ge [sflag:s14], $0x280  }
0x7e: {  	[sflag:s14] =	ssyncset.done $0x0  }
0x7f: {  	[sflag:s14] =	ssyncadd.s32 $0xFFFFFD80  }
0x80: {  	[bflag:$0x0] =	sbarrier.arrive $0xFFFF  }
0x81: {  	[hbm:s11], [sflag:s17] =	dma.local [spmem:s18], $0x2710  }
0x82: {  	s26 =	sadd.s32 $0x1, s26;
	_ =	swait.ge [sflag:s14], $0x2710  }
0x83: {  	p0 =	sne.s32 s26, s13;
	[sflag:s14] =	ssyncset.done $0x0  }
.Ltmp1:
0x84: {  	[sflag:s14] =	ssyncadd.s32 $0xFFFFD8F0;
	(pc) =	sbr.rel @p0 .LBB2_1-.Ltmp1, $4  }
0x85: {  	[hbm:s12], [sflag:s17] =	dma.local [spmem:s19], $0x271  }
0x86: {  	_ =	swait.ge [sflag:s14], $0x271  }
0x87: {  	[sflag:s14] =	ssyncset.done $0x0  }
0x88: {  	[sflag:s14] =	ssyncadd.s32 $0xFFFFFD8F  }
0x89: {  	_ =	sfence.sel $0x180000  }
0x8a: {  	[bflag:$0x0] =	sbarrier.arrive $0xFFFF  }
0x8b: {  	_ =	strace $0x90000047  }
0x8c: {  	[bflag:$0x2] =	sbarrier.arrive $0xFFFF  }
0x8d: {  	p0 =	sne.s32 s0, $0x0;
	s0 =	rddreg [dreg:$0x5]  }
0x8e: {  	s0 =	sadd.s32 @!p0 $0x100000, s0  }
0x8f: {  	[sflag:s0] =	ssyncadd.tile.s32 @!p0 $0x1;
	_ =	shalt  }
.Lfunc_end2:
_tile_overlayer_lowered:
.L_overlay_start_2:
0x90: {  	(tag) =	ssettag $0x2  }
0x91: {  	s0 =	rddreg [dreg:$0x0];
	s2 =	stileid.u32  }
0x92: {  	s1 =	rddreg [dreg:$0x1];
	p0 =	sne.s32 s2, $0x0  }
0x93: {  	s3 =	rddreg [dreg:$0x2];
	[bflag:$0x3] =	sbarrier.arrive $0xFFFF;
	s2 =	simm.s32 @!p0 $0x1C03  }
0x94: {  	[timem:s3], [sflag:s2] =	dma.local @!p0 [hbm:s0], s1  }
0x95: {  	s0 =	simm.s32 @!p0 $0x3  }
0x96: {  	_ =	swait.ge @!p0 [sflag:s0], s1  }
0x97: {  	s1 =	ssub.s32 @!p0 $0x0, s1;
	[sflag:s0] =	ssyncset.done @!p0 $0x0  }
0x98: {  	[sflag:s0] =	ssyncadd.s32 @!p0 s1  }
0x99: {  	[bflag:$0x3] =	sbarrier.arrive $0xFFFF  }
0x9a: {  	_ =	shalt  }

</sc_bundles>
